<compile_context>
chip_gen: v7x
topology: tpu7x:2x2x1
jax: 0.10.2.dev20260603
libtpu: 0.0.44.dev20260713+nightly
codegen_flags: <defaults>
</compile_context>

<pallas_src>
import functools

import jax
import jax.numpy as jnp
from jax import lax
from jax.experimental import pallas as pl
from jax.experimental.pallas import tpu as pltpu
from jax.experimental.pallas import tpu_sc as plsc

N, E, D, H = 10000, 320000, 128, 128
NPAD = 10240
NC, NS = 2, 16
NW = NC * NS
NCH = 80
EPAD = NW * NCH * 128
RPT = NPAD // NS
MB = NPAD // 128
NCHT = NW * NCH
CPW = NCHT // NW
PH = 40

_sc_mesh = plsc.VectorSubcoreMesh(
    core_axis_name="c", subcore_axis_name="s", num_cores=NC, num_subcores=NS)


def _zero_1d(ref, n):
    def body(i, _):
        ref[pl.ds(i * 16, 16)] = jnp.zeros((16,), jnp.float32)
        return 0
    lax.fori_loop(0, n // 16, body, 0)


def _tile_reduce_and_write(acc_v, blk_v, red_v, shared, out_slice, s):
    pltpu.sync_copy(acc_v, shared.at[s])
    plsc.subcore_barrier()
    pltpu.sync_copy(shared.at[:, pl.ds(s * RPT, RPT)], blk_v)

    def body(i, _):
        v = blk_v[0, pl.ds(i * 16, 16)]
        for k in range(1, NS):
            v = v + blk_v[k, pl.ds(i * 16, 16)]
        red_v[pl.ds(i * 16, 16)] = v
        return 0
    lax.fori_loop(0, RPT // 16, body, 0)
    pltpu.sync_copy(red_v, out_slice)


@functools.partial(
    pl.kernel, mesh=_sc_mesh,
    compiler_params=pltpu.CompilerParams(needs_layout_passes=False),
    out_type=jax.ShapeDtypeStruct((NC, NPAD), jnp.float32),
    scratch_types=[
        pltpu.VMEM((NCH, 128), jnp.int32),
        pltpu.VMEM((NPAD,), jnp.float32),
        pltpu.VMEM((NS, RPT), jnp.float32),
        pltpu.VMEM((RPT,), jnp.float32),
        pltpu.VMEM_SHARED((NS, NPAD), jnp.float32),
    ],
)
def _deg_kernel(dst_hbm, out_hbm, dst_v, acc_v, blk_v, red_v, shared):
    c = lax.axis_index("c")
    s = lax.axis_index("s")
    w = c * NS + s
    pltpu.sync_copy(dst_hbm.at[pl.ds(w * NCH, NCH)], dst_v)
    _zero_1d(acc_v, NPAD)
    ones = jnp.ones((16,), jnp.float32)

    def body(j, _):
        for k in range(8):
            d16 = dst_v[j, pl.ds(k * 16, 16)]
            plsc.addupdate_scatter(acc_v, [d16], ones)
        return 0
    lax.fori_loop(0, NCH, body, 0)
    _tile_reduce_and_write(acc_v, blk_v, red_v, shared,
                           out_hbm.at[c, pl.ds(s * RPT, RPT)], s)


@functools.partial(
    pl.kernel, mesh=_sc_mesh,
    compiler_params=pltpu.CompilerParams(needs_layout_passes=False),
    out_type=jax.ShapeDtypeStruct((NC, NPAD, D), jnp.float32),
    scratch_types=[
        pltpu.VMEM((PH, 128), jnp.int32),
        pltpu.VMEM((PH, 128), jnp.int32),
        pltpu.VMEM((128, D), jnp.float32),
        pltpu.VMEM((128, D), jnp.float32),
        pltpu.VMEM_SHARED((NPAD, D), jnp.float32),
        pltpu.SemaphoreType.DMA,
        pltpu.SemaphoreType.DMA,
        pltpu.SemaphoreType.DMA,
        pltpu.SemaphoreType.DMA,
    ],
)
def _prop_kernel(g_hbm, src_hbm, dst_hbm, out_hbm,
                 src_v, dst_v, bufa, bufb, shared, ga, gb, sa, sb):
    c = lax.axis_index("c")
    s = lax.axis_index("s")
    w = c * NS + s


    def wait_dma(buf, sem):
        pltpu.make_async_copy(g_hbm.at[pl.ds(0, 128)], buf, sem).wait()

    pltpu.sync_copy(g_hbm.at[pl.ds(s * RPT, RPT)],
                    shared.at[pl.ds(s * RPT, RPT)])
    plsc.subcore_barrier()

    def phase(p, _):
        row0 = w * CPW + p * PH
        pltpu.sync_copy(src_hbm.at[pl.ds(row0, PH)], src_v)
        pltpu.sync_copy(dst_hbm.at[pl.ds(row0, PH)], dst_v)

        pltpu.async_copy(g_hbm.at[src_v.at[0]], bufa, ga)
        wait_dma(bufa, ga)
        pltpu.async_copy(g_hbm.at[src_v.at[1]], bufb, gb)
        pltpu.async_copy(bufa, shared.at[dst_v.at[0]], sa, add=True)

        def body(k, _):
            jb = 2 * k + 1
            ja = 2 * k + 2
            wait_dma(bufb, gb)
            scb = pltpu.async_copy(bufb, shared.at[dst_v.at[jb]], sb,
                                   add=True)
            wait_dma(bufa, sa)
            pltpu.async_copy(g_hbm.at[src_v.at[ja]], bufa, ga)
            wait_dma(bufa, ga)
            pltpu.async_copy(bufa, shared.at[dst_v.at[ja]], sa, add=True)
            scb.wait()
            pltpu.async_copy(g_hbm.at[src_v.at[ja + 1]], bufb, gb)
            return 0
        lax.fori_loop(0, PH // 2 - 1, body, 0)

        wait_dma(bufb, gb)
        pltpu.async_copy(bufb, shared.at[dst_v.at[PH - 1]], sb, add=True)
        wait_dma(bufa, sa)
        wait_dma(bufb, sb)
        return 0
    lax.fori_loop(0, CPW // PH, phase, 0)
    plsc.subcore_barrier()
    pltpu.sync_copy(shared.at[pl.ds(s * RPT, RPT)],
                    out_hbm.at[c, pl.ds(s * RPT, RPT)])


@functools.partial(
    pl.kernel, mesh=_sc_mesh,
    compiler_params=pltpu.CompilerParams(needs_layout_passes=False),
    out_type=jax.ShapeDtypeStruct((NC, NPAD), jnp.float32),
    scratch_types=[
        pltpu.VMEM((NPAD,), jnp.float32),
        pltpu.VMEM((NCH, 128), jnp.int32),
        pltpu.VMEM((NCH, 128), jnp.int32),
        pltpu.VMEM((NPAD,), jnp.float32),
        pltpu.VMEM((NS, RPT), jnp.float32),
        pltpu.VMEM((RPT,), jnp.float32),
        pltpu.VMEM_SHARED((NS, NPAD), jnp.float32),
    ],
)
def _sprop_kernel(zs_hbm, src_hbm, dst_hbm, out_hbm,
                  zs_v, src_v, dst_v, acc_v, blk_v, red_v, shared):
    c = lax.axis_index("c")
    s = lax.axis_index("s")
    w = c * NS + s
    pltpu.sync_copy(zs_hbm, zs_v)
    pltpu.sync_copy(src_hbm.at[pl.ds(w * NCH, NCH)], src_v)
    pltpu.sync_copy(dst_hbm.at[pl.ds(w * NCH, NCH)], dst_v)
    _zero_1d(acc_v, NPAD)

    def body(j, _):
        for k in range(8):
            s16 = src_v[j, pl.ds(k * 16, 16)]
            d16 = dst_v[j, pl.ds(k * 16, 16)]
            vals = plsc.load_gather(zs_v, [s16])
            plsc.addupdate_scatter(acc_v, [d16], vals)
        return 0
    lax.fori_loop(0, NCH, body, 0)
    _tile_reduce_and_write(acc_v, blk_v, red_v, shared,
                           out_hbm.at[c, pl.ds(s * RPT, RPT)], s)


def _mm1_body(x_ref, w1_ref, p0_ref, p1_ref, g_ref, dinv_ref):
    deg = p0_ref[...] + p1_ref[...] + 1.0
    dinv = lax.rsqrt(deg)
    h = jnp.dot(x_ref[...], w1_ref[...], preferred_element_type=jnp.float32)
    g_ref[...] = h * dinv
    dinv_ref[...] = dinv


_mm1 = pl.pallas_call(
    _mm1_body,
    grid=(MB,),
    in_specs=[
        pl.BlockSpec((128, D), lambda i: (i, 0)),
        pl.BlockSpec((D, H), lambda i: (0, 0)),
        pl.BlockSpec((128, 1), lambda i: (i, 0)),
        pl.BlockSpec((128, 1), lambda i: (i, 0)),
    ],
    out_specs=[
        pl.BlockSpec((128, H), lambda i: (i, 0)),
        pl.BlockSpec((128, 1), lambda i: (i, 0)),
    ],
    out_shape=[
        jax.ShapeDtypeStruct((NPAD, H), jnp.float32),
        jax.ShapeDtypeStruct((NPAD, 1), jnp.float32),
    ],
)


def _mid_body(a0_ref, a1_ref, g_ref, dinv_ref, b1_ref, w2_ref, zs_ref):
    i = pl.program_id(0)
    dinv = dinv_ref[...]
    acc = a0_ref[0] + a1_ref[0] - g_ref[...]
    out1 = dinv * acc + b1_ref[...]
    r = jnp.maximum(out1, 0.0)
    z = jnp.dot(r, w2_ref[...], preferred_element_type=jnp.float32)
    rows = i * 128 + lax.broadcasted_iota(jnp.int32, (128, 1), 0)
    zs_ref[...] = jnp.where(rows < N, dinv * z, 0.0)


_mid = pl.pallas_call(
    _mid_body,
    grid=(MB,),
    in_specs=[
        pl.BlockSpec((1, 128, H), lambda i: (0, i, 0)),
        pl.BlockSpec((1, 128, H), lambda i: (1, i, 0)),
        pl.BlockSpec((128, H), lambda i: (i, 0)),
        pl.BlockSpec((128, 1), lambda i: (i, 0)),
        pl.BlockSpec((1, H), lambda i: (0, 0)),
        pl.BlockSpec((H, 1), lambda i: (0, 0)),
    ],
    out_specs=pl.BlockSpec((128, 1), lambda i: (i, 0)),
    out_shape=jax.ShapeDtypeStruct((NPAD, 1), jnp.float32),
)


def _fin_body(q0_ref, q1_ref, zs_ref, dinv_ref, b2_ref, out_ref):
    out_ref[...] = (dinv_ref[...] * (q0_ref[...] + q1_ref[...] + zs_ref[...])
                    + b2_ref[...])


_fin = pl.pallas_call(
    _fin_body,
    in_specs=[
        pl.BlockSpec((MB, 128), lambda: (0, 0)),
        pl.BlockSpec((MB, 128), lambda: (0, 0)),
        pl.BlockSpec((MB, 128), lambda: (0, 0)),
        pl.BlockSpec((MB, 128), lambda: (0, 0)),
        pl.BlockSpec((1, 1), lambda: (0, 0)),
    ],
    out_specs=pl.BlockSpec((MB, 128), lambda: (0, 0)),
    out_shape=jax.ShapeDtypeStruct((MB, 128), jnp.float32),
)


def kernel(x, edge_index, W1, b1, W2, b2):
    xp = jnp.pad(x, ((0, NPAD - N), (0, 0)))
    pad = (jnp.arange(EPAD - E, dtype=jnp.int32) % (NPAD - N)) + N
    srcp = jnp.concatenate([edge_index[0], pad]).reshape(NCHT, 128)
    dstp = jnp.concatenate([edge_index[1], pad]).reshape(NCHT, 128)

    degp = _deg_kernel(dstp)
    p0 = degp[0].reshape(NPAD, 1)
    p1 = degp[1].reshape(NPAD, 1)
    g, dinv = _mm1(xp, W1, p0, p1)
    acc = _prop_kernel(g, srcp, dstp)
    zs = _mid(acc, acc, g, dinv, b1.reshape(1, H), W2)
    q = _sprop_kernel(zs.reshape(NPAD), srcp, dstp)
    fin = _fin(q[0].reshape(MB, 128), q[1].reshape(MB, 128),
               zs.reshape(MB, 128), dinv.reshape(MB, 128),
               b2.reshape(1, 1))
    return fin.reshape(NPAD)[:N].reshape(N, 1)

# --- scband reference (transcript-rebuilt; emitter-appended) ---
"""Pipeline reference for scband-gcn-6270652252977 (READ-ONLY COPY).

The authoritative reference and input builder live on the scoring server;
editing this copy changes nothing except your own understanding.
"""

import jax, jax.numpy as jnp
import numpy as np


def gcn_conv(x, edge_index, W, b):
    # PyG-style GCNConv: add self-loops, symmetric normalization D^-1/2 A_hat D^-1/2 X W + b
    N = x.shape[0]
    loop = jnp.arange(N, dtype=edge_index.dtype)
    src = jnp.concatenate([edge_index[0], loop])
    dst = jnp.concatenate([edge_index[1], loop])
    deg = jax.ops.segment_sum(jnp.ones_like(src, dtype=x.dtype), dst, num_segments=N)
    dinv = jnp.where(deg > 0, jax.lax.rsqrt(deg), 0.0)
    norm = dinv[src] * dinv[dst]
    h = x @ W
    msg = h[src] * norm[:, None]
    out = jax.ops.segment_sum(msg, dst, num_segments=N)
    return out + b


def setup_inputs(seed: int = 0) -> dict:
    key = jax.random.key(seed)
    k1, k2, k3, k4 = jax.random.split(key, 4)
    N, E, D, H = 10000, 320000, 128, 128
    x = jax.random.normal(k1, (N, D), dtype=jnp.float32)
    edge_index = jax.random.randint(k2, (2, E), 0, N, dtype=jnp.int32)
    W1 = jax.random.normal(k3, (D, H), dtype=jnp.float32) * (1.0 / np.sqrt(D))
    b1 = jnp.zeros((H,), dtype=jnp.float32)
    W2 = jax.random.normal(k4, (H, 1), dtype=jnp.float32) * (1.0 / np.sqrt(H))
    b2 = jnp.zeros((1,), dtype=jnp.float32)
    return {"x": x, "edge_index": edge_index, "W1": W1, "b1": b1, "W2": W2, "b2": b2}


def reference(x, edge_index, W1, b1, W2, b2):
    h = gcn_conv(x, edge_index, W1, b1)
    h = jax.nn.relu(h)
    # f.dropout(x, training=self.training): eval-mode inference -> identity
    out = gcn_conv(h, edge_index, W2, b2)
    return out

if __name__ == "__main__":
    import jax
    _d = setup_inputs()
    print(jax.jit(kernel)(*tuple(_d.values())))

</pallas_src>

<mosaic_0001>
#map = affine_map<(d0, d1) -> (0, 0)>
module attributes {stable_mosaic.version = 14 : i64} {
  func.func @_deg_kernel(%arg0: i32, %arg1: i32, %arg2: memref<2560x128xi32, #tpu.memory_space<hbm>>, %arg3: memref<2x10240xf32, #tpu.memory_space<hbm>>, %arg4: memref<80x128xi32, #tpu.memory_space<vmem>>, %arg5: memref<10240xf32, #tpu.memory_space<vmem>>, %arg6: memref<16x640xf32, #tpu.memory_space<vmem>>, %arg7: memref<640xf32, #tpu.memory_space<vmem>>, %arg8: memref<16x10240xf32, #tpu.memory_space<vmem_shared>>) attributes {dimension_semantics = [#tpu.dimension_semantics<core_parallel>, #tpu.dimension_semantics<subcore_parallel>], iteration_bounds = array<i64: 2, 16>, scalar_prefetch = 0 : i64, scratch_operands = 5 : i64, tpu.core_type = #tpu.core_type<sc_vector_subcore>, window_params = [{transform_indices = #map}, {transform_indices = #map}]} {
    %mul3A = arith.constant 16 : i32
    %mul3A_0 = arith.muli %arg0, %mul3A : i32
    %add3A = arith.addi %mul3A_0, %arg1 : i32
    %mul3A_1 = arith.constant 80 : i32
    %mul3A_2 = arith.muli %add3A, %mul3A_1 : i32
    "tpu.region"() ({
      %run_scoped3A = tpu.sem_alloc : memref<!tpu.dma_semaphore, #tpu.memory_space<semaphore_mem>>
      %dma_start3A = arith.constant 0 : i32
      %dma_start3A_28 = tpu.memref_slice %arg2[%mul3A_2, %dma_start3A] : memref<2560x128xi32, #tpu.memory_space<hbm>> -> memref<80x128xi32, #tpu.memory_space<hbm>>
      %dma_start3A_29 = arith.constant 0 : i32
      %dma_start3A_30 = tpu.memref_slice %arg2[%mul3A_2, %dma_start3A_29] : memref<2560x128xi32, #tpu.memory_space<hbm>> -> memref<80x128xi32, #tpu.memory_space<hbm>>
      tpu.enqueue_dma source(%dma_start3A_30 : memref<80x128xi32, #tpu.memory_space<hbm>>) target(%arg4 : memref<80x128xi32, #tpu.memory_space<vmem>>) target_semaphore(%run_scoped3A : memref<!tpu.dma_semaphore, #tpu.memory_space<semaphore_mem>>)
      %dma_wait3A = arith.constant 0 : i32
      %dma_wait3A_31 = tpu.memref_slice %arg2[%mul3A_2, %dma_wait3A] : memref<2560x128xi32, #tpu.memory_space<hbm>> -> memref<80x128xi32, #tpu.memory_space<hbm>>
      %dma_wait3A_32 = arith.constant 0 : i32
      %dma_wait3A_33 = tpu.memref_slice %arg2[%mul3A_2, %dma_wait3A_32] : memref<2560x128xi32, #tpu.memory_space<hbm>> -> memref<80x128xi32, #tpu.memory_space<hbm>>
      tpu.wait_dma2 semaphore(%run_scoped3A : memref<!tpu.dma_semaphore, #tpu.memory_space<semaphore_mem>>) src(%dma_wait3A_33 : memref<80x128xi32, #tpu.memory_space<hbm>>) dst(%arg4 : memref<80x128xi32, #tpu.memory_space<vmem>>)
      tpu.yield
    }) : () -> ()
    %scan3A = arith.constant 0 : i32
    %scan3A_3 = arith.constant 0 : i32
    %scan3A_4 = arith.constant 640 : i32
    %scan3A_5 = arith.addi %scan3A_3, %scan3A_4 : i32
    %scan3A_6 = arith.constant 1 : i32
    %scan3A_7 = scf.for %scan3A_28 = %scan3A_3 to %scan3A_5 step %scan3A_6 iter_args(%scan3A_29 = %scan3A) -> (i32)  : i32 {
      %broadcast_in_dim3A_30 = arith.constant 0.000000e+00 : f32
      %broadcast_in_dim3A_31 = vector.broadcast %broadcast_in_dim3A_30 : f32 to vector<16xf32>
      %mul3A_32 = arith.constant 16 : i32
      %mul3A_33 = arith.muli %scan3A_28, %mul3A_32 : i32
      %swap3A = arith.index_cast %mul3A_33 : i32 to index
      %swap3A_34 = tpu.vector_load %arg5[%swap3A] {strides = array<i32>} : memref<10240xf32, #tpu.memory_space<vmem>>, vector<16xf32>,
      tpu.vector_store %arg5[%swap3A], %broadcast_in_dim3A_31 {strides = array<i32>} : memref<10240xf32, #tpu.memory_space<vmem>>, vector<16xf32>,
      %scan3A_35 = arith.constant 0 : i32
      scf.yield %scan3A_35 : i32
    }
    %scan3A_8 = arith.constant 640 : i32
    %broadcast_in_dim3A = arith.constant 1.000000e+00 : f32
    %broadcast_in_dim3A_9 = vector.broadcast %broadcast_in_dim3A : f32 to vector<16xf32>
    %scan3A_10 = arith.constant 0 : i32
    %scan3A_11 = arith.constant 0 : i32
    %scan3A_12 = arith.constant 80 : i32
    %scan3A_13 = arith.addi %scan3A_11, %scan3A_12 : i32
    %scan3A_14 = arith.constant 1 : i32
    %scan3A_15 = scf.for %scan3A_28 = %scan3A_11 to %scan3A_13 step %scan3A_14 iter_args(%scan3A_29 = %scan3A_10) -> (i32)  : i32 {
      %get3A = arith.index_cast %scan3A_28 : i32 to index
      %get3A_30 = arith.constant 0 : index
      %get3A_31 = tpu.vector_load %arg4[%get3A, %get3A_30] {strides = array<i32>} : memref<80x128xi32, #tpu.memory_space<vmem>>, vector<16xi32>,
      tpu.vector_store_idx %arg5[%get3A_31], %broadcast_in_dim3A_9 {add = true} : memref<10240xf32, #tpu.memory_space<vmem>>[vector<16xi32>], vector<16xf32>,
      %get3A_32 = arith.index_cast %scan3A_28 : i32 to index
      %get3A_33 = arith.constant 16 : index
      %get3A_34 = tpu.vector_load %arg4[%get3A_32, %get3A_33] {strides = array<i32>} : memref<80x128xi32, #tpu.memory_space<vmem>>, vector<16xi32>,
      tpu.vector_store_idx %arg5[%get3A_34], %broadcast_in_dim3A_9 {add = true} : memref<10240xf32, #tpu.memory_space<vmem>>[vector<16xi32>], vector<16xf32>,
      %get3A_35 = arith.index_cast %scan3A_28 : i32 to index
      %get3A_36 = arith.constant 32 : index
      %get3A_37 = tpu.vector_load %arg4[%get3A_35, %get3A_36] {strides = array<i32>} : memref<80x128xi32, #tpu.memory_space<vmem>>, vector<16xi32>,
      tpu.vector_store_idx %arg5[%get3A_37], %broadcast_in_dim3A_9 {add = true} : memref<10240xf32, #tpu.memory_space<vmem>>[vector<16xi32>], vector<16xf32>,
      %get3A_38 = arith.index_cast %scan3A_28 : i32 to index
      %get3A_39 = arith.constant 48 : index
      %get3A_40 = tpu.vector_load %arg4[%get3A_38, %get3A_39] {strides = array<i32>} : memref<80x128xi32, #tpu.memory_space<vmem>>, vector<16xi32>,
      tpu.vector_store_idx %arg5[%get3A_40], %broadcast_in_dim3A_9 {add = true} : memref<10240xf32, #tpu.memory_space<vmem>>[vector<16xi32>], vector<16xf32>,
      %get3A_41 = arith.index_cast %scan3A_28 : i32 to index
      %get3A_42 = arith.constant 64 : index
      %get3A_43 = tpu.vector_load %arg4[%get3A_41, %get3A_42] {strides = array<i32>} : memref<80x128xi32, #tpu.memory_space<vmem>>, vector<16xi32>,
      tpu.vector_store_idx %arg5[%get3A_43], %broadcast_in_dim3A_9 {add = true} : memref<10240xf32, #tpu.memory_space<vmem>>[vector<16xi32>], vector<16xf32>,
      %get3A_44 = arith.index_cast %scan3A_28 : i32 to index
      %get3A_45 = arith.constant 80 : index
      %get3A_46 = tpu.vector_load %arg4[%get3A_44, %get3A_45] {strides = array<i32>} : memref<80x128xi32, #tpu.memory_space<vmem>>, vector<16xi32>,
      tpu.vector_store_idx %arg5[%get3A_46], %broadcast_in_dim3A_9 {add = true} : memref<10240xf32, #tpu.memory_space<vmem>>[vector<16xi32>], vector<16xf32>,
      %get3A_47 = arith.index_cast %scan3A_28 : i32 to index
      %get3A_48 = arith.constant 96 : index
      %get3A_49 = tpu.vector_load %arg4[%get3A_47, %get3A_48] {strides = array<i32>} : memref<80x128xi32, #tpu.memory_space<vmem>>, vector<16xi32>,
      tpu.vector_store_idx %arg5[%get3A_49], %broadcast_in_dim3A_9 {add = true} : memref<10240xf32, #tpu.memory_space<vmem>>[vector<16xi32>], vector<16xf32>,
      %get3A_50 = arith.index_cast %scan3A_28 : i32 to index
      %get3A_51 = arith.constant 112 : index
      %get3A_52 = tpu.vector_load %arg4[%get3A_50, %get3A_51] {strides = array<i32>} : memref<80x128xi32, #tpu.memory_space<vmem>>, vector<16xi32>,
      tpu.vector_store_idx %arg5[%get3A_52], %broadcast_in_dim3A_9 {add = true} : memref<10240xf32, #tpu.memory_space<vmem>>[vector<16xi32>], vector<16xf32>,
      %scan3A_53 = arith.constant 0 : i32
      scf.yield %scan3A_53 : i32
    }
    %scan3A_16 = arith.constant 80 : i32
    %mul3A_17 = arith.constant 640 : i32
    %mul3A_18 = arith.muli %arg1, %mul3A_17 : i32
    "tpu.region"() ({
      %run_scoped3A = tpu.sem_alloc : memref<!tpu.dma_semaphore, #tpu.memory_space<semaphore_mem>>
      %dma_start3A = arith.constant 0 : i32
      %dma_start3A_28 = tpu.memref_slice %arg8[%arg1, %dma_start3A] : memref<16x10240xf32, #tpu.memory_space<vmem_shared>> -> memref<1x10240xf32, #tpu.memory_space<vmem_shared>>
      %dma_start3A_29 = tpu.memref_squeeze %dma_start3A_28 : memref<1x10240xf32, #tpu.memory_space<vmem_shared>> -> memref<10240xf32, #tpu.memory_space<vmem_shared>>
      %dma_start3A_30 = arith.constant 0 : i32
      %dma_start3A_31 = tpu.memref_slice %arg8[%arg1, %dma_start3A_30] : memref<16x10240xf32, #tpu.memory_space<vmem_shared>> -> memref<1x10240xf32, #tpu.memory_space<vmem_shared>>
      %dma_start3A_32 = tpu.memref_squeeze %dma_start3A_31 : memref<1x10240xf32, #tpu.memory_space<vmem_shared>> -> memref<10240xf32, #tpu.memory_space<vmem_shared>>
      tpu.enqueue_dma source(%arg5 : memref<10240xf32, #tpu.memory_space<vmem>>) target(%dma_start3A_32 : memref<10240xf32, #tpu.memory_space<vmem_shared>>) target_semaphore(%run_scoped3A : memref<!tpu.dma_semaphore, #tpu.memory_space<semaphore_mem>>)
      %dma_wait3A = arith.constant 0 : i32
      %dma_wait3A_33 = tpu.memref_slice %arg8[%arg1, %dma_wait3A] : memref<16x10240xf32, #tpu.memory_space<vmem_shared>> -> memref<1x10240xf32, #tpu.memory_space<vmem_shared>>
      %dma_wait3A_34 = tpu.memref_squeeze %dma_wait3A_33 : memref<1x10240xf32, #tpu.memory_space<vmem_shared>> -> memref<10240xf32, #tpu.memory_space<vmem_shared>>
      %dma_wait3A_35 = arith.constant 0 : i32
      %dma_wait3A_36 = tpu.memref_slice %arg8[%arg1, %dma_wait3A_35] : memref<16x10240xf32, #tpu.memory_space<vmem_shared>> -> memref<1x10240xf32, #tpu.memory_space<vmem_shared>>
      %dma_wait3A_37 = tpu.memref_squeeze %dma_wait3A_36 : memref<1x10240xf32, #tpu.memory_space<vmem_shared>> -> memref<10240xf32, #tpu.memory_space<vmem_shared>>
      tpu.wait_dma2 semaphore(%run_scoped3A : memref<!tpu.dma_semaphore, #tpu.memory_space<semaphore_mem>>) src(%arg5 : memref<10240xf32, #tpu.memory_space<vmem>>) dst(%dma_wait3A_37 : memref<10240xf32, #tpu.memory_space<vmem_shared>>)
      tpu.yield
    }) : () -> ()
    %barrier3A = arith.constant 0 : index
    tpu.barrier barrier_id(%barrier3A)
    %mul3A_19 = arith.constant 640 : i32
    %mul3A_20 = arith.muli %arg1, %mul3A_19 : i32
    "tpu.region"() ({
      %run_scoped3A = tpu.sem_alloc : memref<!tpu.dma_semaphore, #tpu.memory_space<semaphore_mem>>
      %dma_start3A = arith.constant 0 : i32
      %dma_start3A_28 = tpu.memref_slice %arg8[%dma_start3A, %mul3A_20] : memref<16x10240xf32, #tpu.memory_space<vmem_shared>> -> memref<16x640xf32, #tpu.memory_space<vmem_shared>>
      %dma_start3A_29 = arith.constant 0 : i32
      %dma_start3A_30 = tpu.memref_slice %arg8[%dma_start3A_29, %mul3A_20] : memref<16x10240xf32, #tpu.memory_space<vmem_shared>> -> memref<16x640xf32, #tpu.memory_space<vmem_shared>>
      tpu.enqueue_dma source(%dma_start3A_30 : memref<16x640xf32, #tpu.memory_space<vmem_shared>>) target(%arg6 : memref<16x640xf32, #tpu.memory_space<vmem>>) target_semaphore(%run_scoped3A : memref<!tpu.dma_semaphore, #tpu.memory_space<semaphore_mem>>)
      %dma_wait3A = arith.constant 0 : i32
      %dma_wait3A_31 = tpu.memref_slice %arg8[%dma_wait3A, %mul3A_20] : memref<16x10240xf32, #tpu.memory_space<vmem_shared>> -> memref<16x640xf32, #tpu.memory_space<vmem_shared>>
      %dma_wait3A_32 = arith.constant 0 : i32
      %dma_wait3A_33 = tpu.memref_slice %arg8[%dma_wait3A_32, %mul3A_20] : memref<16x10240xf32, #tpu.memory_space<vmem_shared>> -> memref<16x640xf32, #tpu.memory_space<vmem_shared>>
      tpu.wait_dma2 semaphore(%run_scoped3A : memref<!tpu.dma_semaphore, #tpu.memory_space<semaphore_mem>>) src(%dma_wait3A_33 : memref<16x640xf32, #tpu.memory_space<vmem_shared>>) dst(%arg6 : memref<16x640xf32, #tpu.memory_space<vmem>>)
      tpu.yield
    }) : () -> ()
    %scan3A_21 = arith.constant 0 : i32
    %scan3A_22 = arith.constant 0 : i32
    %scan3A_23 = arith.constant 40 : i32
    %scan3A_24 = arith.addi %scan3A_22, %scan3A_23 : i32
    %scan3A_25 = arith.constant 1 : i32
    %scan3A_26 = scf.for %scan3A_28 = %scan3A_22 to %scan3A_24 step %scan3A_25 iter_args(%scan3A_29 = %scan3A_21) -> (i32)  : i32 {
      %mul3A_30 = arith.constant 16 : i32
      %mul3A_31 = arith.muli %scan3A_28, %mul3A_30 : i32
      %get3A = arith.constant 0 : i32
      %get3A_32 = arith.index_cast %get3A : i32 to index
      %get3A_33 = arith.index_cast %mul3A_31 : i32 to index
      %get3A_34 = tpu.vector_load %arg6[%get3A_32, %get3A_33] {strides = array<i32>} : memref<16x640xf32, #tpu.memory_space<vmem>>, vector<16xf32>,
      %mul3A_35 = arith.constant 16 : i32
      %mul3A_36 = arith.muli %scan3A_28, %mul3A_35 : i32
      %get3A_37 = arith.constant 1 : i32
      %get3A_38 = arith.index_cast %get3A_37 : i32 to index
      %get3A_39 = arith.index_cast %mul3A_36 : i32 to index
      %get3A_40 = tpu.vector_load %arg6[%get3A_38, %get3A_39] {strides = array<i32>} : memref<16x640xf32, #tpu.memory_space<vmem>>, vector<16xf32>,
      %add3A_41 = arith.addf %get3A_34, %get3A_40 : vector<16xf32>
      %mul3A_42 = arith.constant 16 : i32
      %mul3A_43 = arith.muli %scan3A_28, %mul3A_42 : i32
      %get3A_44 = arith.constant 2 : i32
      %get3A_45 = arith.index_cast %get3A_44 : i32 to index
      %get3A_46 = arith.index_cast %mul3A_43 : i32 to index
      %get3A_47 = tpu.vector_load %arg6[%get3A_45, %get3A_46] {strides = array<i32>} : memref<16x640xf32, #tpu.memory_space<vmem>>, vector<16xf32>,
      %add3A_48 = arith.addf %add3A_41, %get3A_47 : vector<16xf32>
      %mul3A_49 = arith.constant 16 : i32
      %mul3A_50 = arith.muli %scan3A_28, %mul3A_49 : i32
      %get3A_51 = arith.constant 3 : i32
      %get3A_52 = arith.index_cast %get3A_51 : i32 to index
      %get3A_53 = arith.index_cast %mul3A_50 : i32 to index
      %get3A_54 = tpu.vector_load %arg6[%get3A_52, %get3A_53] {strides = array<i32>} : memref<16x640xf32, #tpu.memory_space<vmem>>, vector<16xf32>,
      %add3A_55 = arith.addf %add3A_48, %get3A_54 : vector<16xf32>
      %mul3A_56 = arith.constant 16 : i32
      %mul3A_57 = arith.muli %scan3A_28, %mul3A_56 : i32
      %get3A_58 = arith.constant 4 : i32
      %get3A_59 = arith.index_cast %get3A_58 : i32 to index
      %get3A_60 = arith.index_cast %mul3A_57 : i32 to index
      %get3A_61 = tpu.vector_load %arg6[%get3A_59, %get3A_60] {strides = array<i32>} : memref<16x640xf32, #tpu.memory_space<vmem>>, vector<16xf32>,
      %add3A_62 = arith.addf %add3A_55, %get3A_61 : vector<16xf32>
      %mul3A_63 = arith.constant 16 : i32
      %mul3A_64 = arith.muli %scan3A_28, %mul3A_63 : i32
      %get3A_65 = arith.constant 5 : i32
      %get3A_66 = arith.index_cast %get3A_65 : i32 to index
      %get3A_67 = arith.index_cast %mul3A_64 : i32 to index
      %get3A_68 = tpu.vector_load %arg6[%get3A_66, %get3A_67] {strides = array<i32>} : memref<16x640xf32, #tpu.memory_space<vmem>>, vector<16xf32>,
      %add3A_69 = arith.addf %add3A_62, %get3A_68 : vector<16xf32>
      %mul3A_70 = arith.constant 16 : i32
      %mul3A_71 = arith.muli %scan3A_28, %mul3A_70 : i32
      %get3A_72 = arith.constant 6 : i32
      %get3A_73 = arith.index_cast %get3A_72 : i32 to index
      %get3A_74 = arith.index_cast %mul3A_71 : i32 to index
      %get3A_75 = tpu.vector_load %arg6[%get3A_73, %get3A_74] {strides = array<i32>} : memref<16x640xf32, #tpu.memory_space<vmem>>, vector<16xf32>,
      %add3A_76 = arith.addf %add3A_69, %get3A_75 : vector<16xf32>
      %mul3A_77 = arith.constant 16 : i32
      %mul3A_78 = arith.muli %scan3A_28, %mul3A_77 : i32
      %get3A_79 = arith.constant 7 : i32
      %get3A_80 = arith.index_cast %get3A_79 : i32 to index
      %get3A_81 = arith.index_cast %mul3A_78 : i32 to index
      %get3A_82 = tpu.vector_load %arg6[%get3A_80, %get3A_81] {strides = array<i32>} : memref<16x640xf32, #tpu.memory_space<vmem>>, vector<16xf32>,
      %add3A_83 = arith.addf %add3A_76, %get3A_82 : vector<16xf32>
      %mul3A_84 = arith.constant 16 : i32
      %mul3A_85 = arith.muli %scan3A_28, %mul3A_84 : i32
      %get3A_86 = arith.constant 8 : i32
      %get3A_87 = arith.index_cast %get3A_86 : i32 to index
      %get3A_88 = arith.index_cast %mul3A_85 : i32 to index
      %get3A_89 = tpu.vector_load %arg6[%get3A_87, %get3A_88] {strides = array<i32>} : memref<16x640xf32, #tpu.memory_space<vmem>>, vector<16xf32>,
      %add3A_90 = arith.addf %add3A_83, %get3A_89 : vector<16xf32>
      %mul3A_91 = arith.constant 16 : i32
      %mul3A_92 = arith.muli %scan3A_28, %mul3A_91 : i32
      %get3A_93 = arith.constant 9 : i32
      %get3A_94 = arith.index_cast %get3A_93 : i32 to index
      %get3A_95 = arith.index_cast %mul3A_92 : i32 to index
      %get3A_96 = tpu.vector_load %arg6[%get3A_94, %get3A_95] {strides = array<i32>} : memref<16x640xf32, #tpu.memory_space<vmem>>, vector<16xf32>,
      %add3A_97 = arith.addf %add3A_90, %get3A_96 : vector<16xf32>
      %mul3A_98 = arith.constant 16 : i32
      %mul3A_99 = arith.muli %scan3A_28, %mul3A_98 : i32
      %get3A_100 = arith.constant 10 : i32
      %get3A_101 = arith.index_cast %get3A_100 : i32 to index
      %get3A_102 = arith.index_cast %mul3A_99 : i32 to index
      %get3A_103 = tpu.vector_load %arg6[%get3A_101, %get3A_102] {strides = array<i32>} : memref<16x640xf32, #tpu.memory_space<vmem>>, vector<16xf32>,
      %add3A_104 = arith.addf %add3A_97, %get3A_103 : vector<16xf32>
      %mul3A_105 = arith.constant 16 : i32
      %mul3A_106 = arith.muli %scan3A_28, %mul3A_105 : i32
      %get3A_107 = arith.constant 11 : i32
      %get3A_108 = arith.index_cast %get3A_107 : i32 to index
      %get3A_109 = arith.index_cast %mul3A_106 : i32 to index
      %get3A_110 = tpu.vector_load %arg6[%get3A_108, %get3A_109] {strides = array<i32>} : memref<16x640xf32, #tpu.memory_space<vmem>>, vector<16xf32>,
      %add3A_111 = arith.addf %add3A_104, %get3A_110 : vector<16xf32>
      %mul3A_112 = arith.constant 16 : i32
      %mul3A_113 = arith.muli %scan3A_28, %mul3A_112 : i32
      %get3A_114 = arith.constant 12 : i32
      %get3A_115 = arith.index_cast %get3A_114 : i32 to index
      %get3A_116 = arith.index_cast %mul3A_113 : i32 to index
      %get3A_117 = tpu.vector_load %arg6[%get3A_115, %get3A_116] {strides = array<i32>} : memref<16x640xf32, #tpu.memory_space<vmem>>, vector<16xf32>,
      %add3A_118 = arith.addf %add3A_111, %get3A_117 : vector<16xf32>
      %mul3A_119 = arith.constant 16 : i32
      %mul3A_120 = arith.muli %scan3A_28, %mul3A_119 : i32
      %get3A_121 = arith.constant 13 : i32
      %get3A_122 = arith.index_cast %get3A_121 : i32 to index
      %get3A_123 = arith.index_cast %mul3A_120 : i32 to index
      %get3A_124 = tpu.vector_load %arg6[%get3A_122, %get3A_123] {strides = array<i32>} : memref<16x640xf32, #tpu.memory_space<vmem>>, vector<16xf32>,
      %add3A_125 = arith.addf %add3A_118, %get3A_124 : vector<16xf32>
      %mul3A_126 = arith.constant 16 : i32
      %mul3A_127 = arith.muli %scan3A_28, %mul3A_126 : i32
      %get3A_128 = arith.constant 14 : i32
      %get3A_129 = arith.index_cast %get3A_128 : i32 to index
      %get3A_130 = arith.index_cast %mul3A_127 : i32 to index
      %get3A_131 = tpu.vector_load %arg6[%get3A_129, %get3A_130] {strides = array<i32>} : memref<16x640xf32, #tpu.memory_space<vmem>>, vector<16xf32>,
      %add3A_132 = arith.addf %add3A_125, %get3A_131 : vector<16xf32>
      %mul3A_133 = arith.constant 16 : i32
      %mul3A_134 = arith.muli %scan3A_28, %mul3A_133 : i32
      %get3A_135 = arith.constant 15 : i32
      %get3A_136 = arith.index_cast %get3A_135 : i32 to index
      %get3A_137 = arith.index_cast %mul3A_134 : i32 to index
      %get3A_138 = tpu.vector_load %arg6[%get3A_136, %get3A_137] {strides = array<i32>} : memref<16x640xf32, #tpu.memory_space<vmem>>, vector<16xf32>,
      %add3A_139 = arith.addf %add3A_132, %get3A_138 : vector<16xf32>
      %mul3A_140 = arith.constant 16 : i32
      %mul3A_141 = arith.muli %scan3A_28, %mul3A_140 : i32
      %swap3A = arith.index_cast %mul3A_141 : i32 to index
      %swap3A_142 = tpu.vector_load %arg7[%swap3A] {strides = array<i32>} : memref<640xf32, #tpu.memory_space<vmem>>, vector<16xf32>,
      tpu.vector_store %arg7[%swap3A], %add3A_139 {strides = array<i32>} : memref<640xf32, #tpu.memory_space<vmem>>, vector<16xf32>,
      %scan3A_143 = arith.constant 0 : i32
      scf.yield %scan3A_143 : i32
    }
    %scan3A_27 = arith.constant 40 : i32
    "tpu.region"() ({
      %run_scoped3A = tpu.sem_alloc : memref<!tpu.dma_semaphore, #tpu.memory_space<semaphore_mem>>
      %dma_start3A = tpu.memref_slice %arg3[%arg0, %mul3A_18] : memref<2x10240xf32, #tpu.memory_space<hbm>> -> memref<1x640xf32, #tpu.memory_space<hbm>>
      %dma_start3A_28 = tpu.memref_squeeze %dma_start3A : memref<1x640xf32, #tpu.memory_space<hbm>> -> memref<640xf32, #tpu.memory_space<hbm>>
      %dma_start3A_29 = tpu.memref_slice %arg3[%arg0, %mul3A_18] : memref<2x10240xf32, #tpu.memory_space<hbm>> -> memref<1x640xf32, #tpu.memory_space<hbm>>
      %dma_start3A_30 = tpu.memref_squeeze %dma_start3A_29 : memref<1x640xf32, #tpu.memory_space<hbm>> -> memref<640xf32, #tpu.memory_space<hbm>>
      tpu.enqueue_dma source(%arg7 : memref<640xf32, #tpu.memory_space<vmem>>) target(%dma_start3A_30 : memref<640xf32, #tpu.memory_space<hbm>>) target_semaphore(%run_scoped3A : memref<!tpu.dma_semaphore, #tpu.memory_space<semaphore_mem>>)
      %dma_wait3A = tpu.memref_slice %arg3[%arg0, %mul3A_18] : memref<2x10240xf32, #tpu.memory_space<hbm>> -> memref<1x640xf32, #tpu.memory_space<hbm>>
      %dma_wait3A_31 = tpu.memref_squeeze %dma_wait3A : memref<1x640xf32, #tpu.memory_space<hbm>> -> memref<640xf32, #tpu.memory_space<hbm>>
      %dma_wait3A_32 = tpu.memref_slice %arg3[%arg0, %mul3A_18] : memref<2x10240xf32, #tpu.memory_space<hbm>> -> memref<1x640xf32, #tpu.memory_space<hbm>>
      %dma_wait3A_33 = tpu.memref_squeeze %dma_wait3A_32 : memref<1x640xf32, #tpu.memory_space<hbm>> -> memref<640xf32, #tpu.memory_space<hbm>>
      tpu.wait_dma2 semaphore(%run_scoped3A : memref<!tpu.dma_semaphore, #tpu.memory_space<semaphore_mem>>) src(%arg7 : memref<640xf32, #tpu.memory_space<vmem>>) dst(%dma_wait3A_33 : memref<640xf32, #tpu.memory_space<hbm>>)
      tpu.yield
    }) : () -> ()
    return
  }
}

#map = affine_map<(d0, d1) -> (0, 0)>
#map1 = affine_map<(d0, d1) -> (0, 0, 0)>
module attributes {stable_mosaic.version = 14 : i64} {
  func.func @_prop_kernel(%arg0: i32, %arg1: i32, %arg2: memref<10240x128xf32, #tpu.memory_space<hbm>>, %arg3: memref<2560x128xi32, #tpu.memory_space<hbm>>, %arg4: memref<2560x128xi32, #tpu.memory_space<hbm>>, %arg5: memref<2x10240x128xf32, #tpu.memory_space<hbm>>, %arg6: memref<40x128xi32, #tpu.memory_space<vmem>>, %arg7: memref<40x128xi32, #tpu.memory_space<vmem>>, %arg8: memref<128x128xf32, #tpu.memory_space<vmem>>, %arg9: memref<128x128xf32, #tpu.memory_space<vmem>>, %arg10: memref<10240x128xf32, #tpu.memory_space<vmem_shared>>, %arg11: memref<!tpu.dma_semaphore, #tpu.memory_space<semaphore_mem>>, %arg12: memref<!tpu.dma_semaphore, #tpu.memory_space<semaphore_mem>>, %arg13: memref<!tpu.dma_semaphore, #tpu.memory_space<semaphore_mem>>, %arg14: memref<!tpu.dma_semaphore, #tpu.memory_space<semaphore_mem>>) attributes {dimension_semantics = [#tpu.dimension_semantics<core_parallel>, #tpu.dimension_semantics<subcore_parallel>], iteration_bounds = array<i64: 2, 16>, scalar_prefetch = 0 : i64, scratch_operands = 9 : i64, tpu.core_type = #tpu.core_type<sc_vector_subcore>, window_params = [{transform_indices = #map}, {transform_indices = #map}, {transform_indices = #map}, {transform_indices = #map1}]} {
    %mul3A = arith.constant 16 : i32
    %mul3A_0 = arith.muli %arg0, %mul3A : i32
    %add3A = arith.addi %mul3A_0, %arg1 : i32
    %mul3A_1 = arith.constant 640 : i32
    %mul3A_2 = arith.muli %arg1, %mul3A_1 : i32
    %mul3A_3 = arith.constant 640 : i32
    %mul3A_4 = arith.muli %arg1, %mul3A_3 : i32
    "tpu.region"() ({
      %run_scoped3A = tpu.sem_alloc : memref<!tpu.dma_semaphore, #tpu.memory_space<semaphore_mem>>
      %dma_start3A = arith.constant 0 : i32
      %dma_start3A_16 = tpu.memref_slice %arg10[%mul3A_4, %dma_start3A] : memref<10240x128xf32, #tpu.memory_space<vmem_shared>> -> memref<640x128xf32, #tpu.memory_space<vmem_shared>>
      %dma_start3A_17 = arith.constant 0 : i32
      %dma_start3A_18 = tpu.memref_slice %arg2[%mul3A_2, %dma_start3A_17] : memref<10240x128xf32, #tpu.memory_space<hbm>> -> memref<640x128xf32, #tpu.memory_space<hbm>>
      tpu.enqueue_dma source(%dma_start3A_18 : memref<640x128xf32, #tpu.memory_space<hbm>>) target(%dma_start3A_16 : memref<640x128xf32, #tpu.memory_space<vmem_shared>>) target_semaphore(%run_scoped3A : memref<!tpu.dma_semaphore, #tpu.memory_space<semaphore_mem>>)
      %dma_wait3A = arith.constant 0 : i32
      %dma_wait3A_19 = tpu.memref_slice %arg10[%mul3A_4, %dma_wait3A] : memref<10240x128xf32, #tpu.memory_space<vmem_shared>> -> memref<640x128xf32, #tpu.memory_space<vmem_shared>>
      %dma_wait3A_20 = arith.constant 0 : i32
      %dma_wait3A_21 = tpu.memref_slice %arg2[%mul3A_2, %dma_wait3A_20] : memref<10240x128xf32, #tpu.memory_space<hbm>> -> memref<640x128xf32, #tpu.memory_space<hbm>>
      tpu.wait_dma2 semaphore(%run_scoped3A : memref<!tpu.dma_semaphore, #tpu.memory_space<semaphore_mem>>) src(%dma_wait3A_21 : memref<640x128xf32, #tpu.memory_space<hbm>>) dst(%dma_wait3A_19 : memref<640x128xf32, #tpu.memory_space<vmem_shared>>)
      tpu.yield
    }) : () -> ()
    %barrier3A = arith.constant 0 : index
    tpu.barrier barrier_id(%barrier3A)
    %scan3A = arith.constant 0 : i32
    %scan3A_5 = arith.constant 0 : i32
    %scan3A_6 = arith.constant 2 : i32
    %scan3A_7 = arith.addi %scan3A_5, %scan3A_6 : i32
    %scan3A_8 = arith.constant 1 : i32
    %scan3A_9 = scf.for %scan3A_16 = %scan3A_5 to %scan3A_7 step %scan3A_8 iter_args(%scan3A_17 = %scan3A) -> (i32)  : i32 {
      %mul3A_18 = arith.constant 80 : i32
      %mul3A_19 = arith.muli %add3A, %mul3A_18 : i32
      %mul3A_20 = arith.constant 40 : i32
      %mul3A_21 = arith.muli %scan3A_16, %mul3A_20 : i32
      %add3A_22 = arith.addi %mul3A_19, %mul3A_21 : i32
      "tpu.region"() ({
        %run_scoped3A = tpu.sem_alloc : memref<!tpu.dma_semaphore, #tpu.memory_space<semaphore_mem>>
        %dma_start3A_81 = arith.constant 0 : i32
        %dma_start3A_82 = tpu.memref_slice %arg3[%add3A_22, %dma_start3A_81] : memref<2560x128xi32, #tpu.memory_space<hbm>> -> memref<40x128xi32, #tpu.memory_space<hbm>>
        %dma_start3A_83 = arith.constant 0 : i32
        %dma_start3A_84 = tpu.memref_slice %arg3[%add3A_22, %dma_start3A_83] : memref<2560x128xi32, #tpu.memory_space<hbm>> -> memref<40x128xi32, #tpu.memory_space<hbm>>
        tpu.enqueue_dma source(%dma_start3A_84 : memref<40x128xi32, #tpu.memory_space<hbm>>) target(%arg6 : memref<40x128xi32, #tpu.memory_space<vmem>>) target_semaphore(%run_scoped3A : memref<!tpu.dma_semaphore, #tpu.memory_space<semaphore_mem>>)
        %dma_wait3A_85 = arith.constant 0 : i32
        %dma_wait3A_86 = tpu.memref_slice %arg3[%add3A_22, %dma_wait3A_85] : memref<2560x128xi32, #tpu.memory_space<hbm>> -> memref<40x128xi32, #tpu.memory_space<hbm>>
        %dma_wait3A_87 = arith.constant 0 : i32
        %dma_wait3A_88 = tpu.memref_slice %arg3[%add3A_22, %dma_wait3A_87] : memref<2560x128xi32, #tpu.memory_space<hbm>> -> memref<40x128xi32, #tpu.memory_space<hbm>>
        tpu.wait_dma2 semaphore(%run_scoped3A : memref<!tpu.dma_semaphore, #tpu.memory_space<semaphore_mem>>) src(%dma_wait3A_88 : memref<40x128xi32, #tpu.memory_space<hbm>>) dst(%arg6 : memref<40x128xi32, #tpu.memory_space<vmem>>)
        tpu.yield
      }) : () -> ()
      "tpu.region"() ({
        %run_scoped3A = tpu.sem_alloc : memref<!tpu.dma_semaphore, #tpu.memory_space<semaphore_mem>>
        %dma_start3A_81 = arith.constant 0 : i32
        %dma_start3A_82 = tpu.memref_slice %arg4[%add3A_22, %dma_start3A_81] : memref<2560x128xi32, #tpu.memory_space<hbm>> -> memref<40x128xi32, #tpu.memory_space<hbm>>
        %dma_start3A_83 = arith.constant 0 : i32
        %dma_start3A_84 = tpu.memref_slice %arg4[%add3A_22, %dma_start3A_83] : memref<2560x128xi32, #tpu.memory_space<hbm>> -> memref<40x128xi32, #tpu.memory_space<hbm>>
        tpu.enqueue_dma source(%dma_start3A_84 : memref<40x128xi32, #tpu.memory_space<hbm>>) target(%arg7 : memref<40x128xi32, #tpu.memory_space<vmem>>) target_semaphore(%run_scoped3A : memref<!tpu.dma_semaphore, #tpu.memory_space<semaphore_mem>>)
        %dma_wait3A_85 = arith.constant 0 : i32
        %dma_wait3A_86 = tpu.memref_slice %arg4[%add3A_22, %dma_wait3A_85] : memref<2560x128xi32, #tpu.memory_space<hbm>> -> memref<40x128xi32, #tpu.memory_space<hbm>>
        %dma_wait3A_87 = arith.constant 0 : i32
        %dma_wait3A_88 = tpu.memref_slice %arg4[%add3A_22, %dma_wait3A_87] : memref<2560x128xi32, #tpu.memory_space<hbm>> -> memref<40x128xi32, #tpu.memory_space<hbm>>
        tpu.wait_dma2 semaphore(%run_scoped3A : memref<!tpu.dma_semaphore, #tpu.memory_space<semaphore_mem>>) src(%dma_wait3A_88 : memref<40x128xi32, #tpu.memory_space<hbm>>) dst(%arg7 : memref<40x128xi32, #tpu.memory_space<vmem>>)
        tpu.yield
      }) : () -> ()
      %dma_start3A = arith.constant 0 : i32
      %dma_start3A_23 = arith.constant 0 : i32
      %dma_start3A_24 = tpu.memref_slice %arg6[%dma_start3A, %dma_start3A_23] : memref<40x128xi32, #tpu.memory_space<vmem>> -> memref<1x128xi32, #tpu.memory_space<vmem>>
      %dma_start3A_25 = tpu.memref_squeeze %dma_start3A_24 : memref<1x128xi32, #tpu.memory_space<vmem>> -> memref<128xi32, #tpu.memory_space<vmem>>
      %dma_start3A_26 = arith.constant 0 : i32
      %dma_start3A_27 = arith.constant 0 : i32
      %dma_start3A_28 = tpu.memref_slice %arg2[%dma_start3A_26, %dma_start3A_27] : memref<10240x128xf32, #tpu.memory_space<hbm>> -> memref<10240x128xf32, #tpu.memory_space<hbm>>
      tpu.enqueue_indirect_dma source(%dma_start3A_28 : memref<10240x128xf32, #tpu.memory_space<hbm>>) target(%arg8 : memref<128x128xf32, #tpu.memory_space<vmem>>) offsets(%dma_start3A_25 : memref<128xi32, #tpu.memory_space<vmem>>) semaphore(%arg11 : memref<!tpu.dma_semaphore, #tpu.memory_space<semaphore_mem>>)
      %dma_wait3A = arith.constant 0 : i32
      %dma_wait3A_29 = arith.constant 0 : i32
      %dma_wait3A_30 = tpu.memref_slice %arg2[%dma_wait3A, %dma_wait3A_29] : memref<10240x128xf32, #tpu.memory_space<hbm>> -> memref<128x128xf32, #tpu.memory_space<hbm>>
      %dma_wait3A_31 = arith.constant 0 : i32
      %dma_wait3A_32 = arith.constant 0 : i32
      %dma_wait3A_33 = tpu.memref_slice %arg2[%dma_wait3A_31, %dma_wait3A_32] : memref<10240x128xf32, #tpu.memory_space<hbm>> -> memref<128x128xf32, #tpu.memory_space<hbm>>
      tpu.wait_dma2 semaphore(%arg11 : memref<!tpu.dma_semaphore, #tpu.memory_space<semaphore_mem>>) src(%dma_wait3A_33 : memref<128x128xf32, #tpu.memory_space<hbm>>) dst(%arg8 : memref<128x128xf32, #tpu.memory_space<vmem>>)
      %dma_start3A_34 = arith.constant 1 : i32
      %dma_start3A_35 = arith.constant 0 : i32
      %dma_start3A_36 = tpu.memref_slice %arg6[%dma_start3A_34, %dma_start3A_35] : memref<40x128xi32, #tpu.memory_space<vmem>> -> memref<1x128xi32, #tpu.memory_space<vmem>>
      %dma_start3A_37 = tpu.memref_squeeze %dma_start3A_36 : memref<1x128xi32, #tpu.memory_space<vmem>> -> memref<128xi32, #tpu.memory_space<vmem>>
      %dma_start3A_38 = arith.constant 0 : i32
      %dma_start3A_39 = arith.constant 0 : i32
      %dma_start3A_40 = tpu.memref_slice %arg2[%dma_start3A_38, %dma_start3A_39] : memref<10240x128xf32, #tpu.memory_space<hbm>> -> memref<10240x128xf32, #tpu.memory_space<hbm>>
      tpu.enqueue_indirect_dma source(%dma_start3A_40 : memref<10240x128xf32, #tpu.memory_space<hbm>>) target(%arg9 : memref<128x128xf32, #tpu.memory_space<vmem>>) offsets(%dma_start3A_37 : memref<128xi32, #tpu.memory_space<vmem>>) semaphore(%arg12 : memref<!tpu.dma_semaphore, #tpu.memory_space<semaphore_mem>>)
      %dma_start3A_41 = arith.constant 0 : i32
      %dma_start3A_42 = arith.constant 0 : i32
      %dma_start3A_43 = tpu.memref_slice %arg7[%dma_start3A_41, %dma_start3A_42] : memref<40x128xi32, #tpu.memory_space<vmem>> -> memref<1x128xi32, #tpu.memory_space<vmem>>
      %dma_start3A_44 = tpu.memref_squeeze %dma_start3A_43 : memref<1x128xi32, #tpu.memory_space<vmem>> -> memref<128xi32, #tpu.memory_space<vmem>>
      %dma_start3A_45 = arith.constant 0 : i32
      %dma_start3A_46 = arith.constant 0 : i32
      %dma_start3A_47 = tpu.memref_slice %arg10[%dma_start3A_45, %dma_start3A_46] : memref<10240x128xf32, #tpu.memory_space<vmem_shared>> -> memref<10240x128xf32, #tpu.memory_space<vmem_shared>>
      tpu.enqueue_indirect_dma source(%arg8 : memref<128x128xf32, #tpu.memory_space<vmem>>) target(%dma_start3A_47 : memref<10240x128xf32, #tpu.memory_space<vmem_shared>>) offsets(%dma_start3A_44 : memref<128xi32, #tpu.memory_space<vmem>>) semaphore(%arg13 : memref<!tpu.dma_semaphore, #tpu.memory_space<semaphore_mem>>) {add = true}
      %scan3A_48 = arith.constant 0 : i32
      %scan3A_49 = arith.constant 0 : i32
      %scan3A_50 = arith.constant 19 : i32
      %scan3A_51 = arith.addi %scan3A_49, %scan3A_50 : i32
      %scan3A_52 = arith.constant 1 : i32
      %scan3A_53 = scf.for %scan3A_81 = %scan3A_49 to %scan3A_51 step %scan3A_52 iter_args(%scan3A_82 = %scan3A_48) -> (i32)  : i32 {
        %mul3A_83 = arith.constant 2 : i32
        %mul3A_84 = arith.muli %mul3A_83, %scan3A_81 : i32
        %add3A_85 = arith.constant 1 : i32
        %add3A_86 = arith.addi %mul3A_84, %add3A_85 : i32
        %mul3A_87 = arith.constant 2 : i32
        %mul3A_88 = arith.muli %mul3A_87, %scan3A_81 : i32
        %add3A_89 = arith.constant 2 : i32
        %add3A_90 = arith.addi %mul3A_88, %add3A_89 : i32
        %dma_wait3A_91 = arith.constant 0 : i32
        %dma_wait3A_92 = arith.constant 0 : i32
        %dma_wait3A_93 = tpu.memref_slice %arg2[%dma_wait3A_91, %dma_wait3A_92] : memref<10240x128xf32, #tpu.memory_space<hbm>> -> memref<128x128xf32, #tpu.memory_space<hbm>>
        %dma_wait3A_94 = arith.constant 0 : i32
        %dma_wait3A_95 = arith.constant 0 : i32
        %dma_wait3A_96 = tpu.memref_slice %arg2[%dma_wait3A_94, %dma_wait3A_95] : memref<10240x128xf32, #tpu.memory_space<hbm>> -> memref<128x128xf32, #tpu.memory_space<hbm>>
        tpu.wait_dma2 semaphore(%arg12 : memref<!tpu.dma_semaphore, #tpu.memory_space<semaphore_mem>>) src(%dma_wait3A_96 : memref<128x128xf32, #tpu.memory_space<hbm>>) dst(%arg9 : memref<128x128xf32, #tpu.memory_space<vmem>>)
        %dma_start3A_97 = arith.constant 0 : i32
        %dma_start3A_98 = tpu.memref_slice %arg7[%add3A_86, %dma_start3A_97] : memref<40x128xi32, #tpu.memory_space<vmem>> -> memref<1x128xi32, #tpu.memory_space<vmem>>
        %dma_start3A_99 = tpu.memref_squeeze %dma_start3A_98 : memref<1x128xi32, #tpu.memory_space<vmem>> -> memref<128xi32, #tpu.memory_space<vmem>>
        %dma_start3A_100 = arith.constant 0 : i32
        %dma_start3A_101 = arith.constant 0 : i32
        %dma_start3A_102 = tpu.memref_slice %arg10[%dma_start3A_100, %dma_start3A_101] : memref<10240x128xf32, #tpu.memory_space<vmem_shared>> -> memref<10240x128xf32, #tpu.memory_space<vmem_shared>>
        tpu.enqueue_indirect_dma source(%arg9 : memref<128x128xf32, #tpu.memory_space<vmem>>) target(%dma_start3A_102 : memref<10240x128xf32, #tpu.memory_space<vmem_shared>>) offsets(%dma_start3A_99 : memref<128xi32, #tpu.memory_space<vmem>>) semaphore(%arg14 : memref<!tpu.dma_semaphore, #tpu.memory_space<semaphore_mem>>) {add = true}
        %dma_wait3A_103 = arith.constant 0 : i32
        %dma_wait3A_104 = arith.constant 0 : i32
        %dma_wait3A_105 = tpu.memref_slice %arg2[%dma_wait3A_103, %dma_wait3A_104] : memref<10240x128xf32, #tpu.memory_space<hbm>> -> memref<128x128xf32, #tpu.memory_space<hbm>>
        %dma_wait3A_106 = arith.constant 0 : i32
        %dma_wait3A_107 = arith.constant 0 : i32
        %dma_wait3A_108 = tpu.memref_slice %arg2[%dma_wait3A_106, %dma_wait3A_107] : memref<10240x128xf32, #tpu.memory_space<hbm>> -> memref<128x128xf32, #tpu.memory_space<hbm>>
        tpu.wait_dma2 semaphore(%arg13 : memref<!tpu.dma_semaphore, #tpu.memory_space<semaphore_mem>>) src(%dma_wait3A_108 : memref<128x128xf32, #tpu.memory_space<hbm>>) dst(%arg8 : memref<128x128xf32, #tpu.memory_space<vmem>>)
        %dma_start3A_109 = arith.constant 0 : i32
        %dma_start3A_110 = tpu.memref_slice %arg6[%add3A_90, %dma_start3A_109] : memref<40x128xi32, #tpu.memory_space<vmem>> -> memref<1x128xi32, #tpu.memory_space<vmem>>
        %dma_start3A_111 = tpu.memref_squeeze %dma_start3A_110 : memref<1x128xi32, #tpu.memory_space<vmem>> -> memref<128xi32, #tpu.memory_space<vmem>>
        %dma_start3A_112 = arith.constant 0 : i32
        %dma_start3A_113 = arith.constant 0 : i32
        %dma_start3A_114 = tpu.memref_slice %arg2[%dma_start3A_112, %dma_start3A_113] : memref<10240x128xf32, #tpu.memory_space<hbm>> -> memref<10240x128xf32, #tpu.memory_space<hbm>>
        tpu.enqueue_indirect_dma source(%dma_start3A_114 : memref<10240x128xf32, #tpu.memory_space<hbm>>) target(%arg8 : memref<128x128xf32, #tpu.memory_space<vmem>>) offsets(%dma_start3A_111 : memref<128xi32, #tpu.memory_space<vmem>>) semaphore(%arg11 : memref<!tpu.dma_semaphore, #tpu.memory_space<semaphore_mem>>)
        %dma_wait3A_115 = arith.constant 0 : i32
        %dma_wait3A_116 = arith.constant 0 : i32
        %dma_wait3A_117 = tpu.memref_slice %arg2[%dma_wait3A_115, %dma_wait3A_116] : memref<10240x128xf32, #tpu.memory_space<hbm>> -> memref<128x128xf32, #tpu.memory_space<hbm>>
        %dma_wait3A_118 = arith.constant 0 : i32
        %dma_wait3A_119 = arith.constant 0 : i32
        %dma_wait3A_120 = tpu.memref_slice %arg2[%dma_wait3A_118, %dma_wait3A_119] : memref<10240x128xf32, #tpu.memory_space<hbm>> -> memref<128x128xf32, #tpu.memory_space<hbm>>
        tpu.wait_dma2 semaphore(%arg11 : memref<!tpu.dma_semaphore, #tpu.memory_space<semaphore_mem>>) src(%dma_wait3A_120 : memref<128x128xf32, #tpu.memory_space<hbm>>) dst(%arg8 : memref<128x128xf32, #tpu.memory_space<vmem>>)
        %dma_start3A_121 = arith.constant 0 : i32
        %dma_start3A_122 = tpu.memref_slice %arg7[%add3A_90, %dma_start3A_121] : memref<40x128xi32, #tpu.memory_space<vmem>> -> memref<1x128xi32, #tpu.memory_space<vmem>>
        %dma_start3A_123 = tpu.memref_squeeze %dma_start3A_122 : memref<1x128xi32, #tpu.memory_space<vmem>> -> memref<128xi32, #tpu.memory_space<vmem>>
        %dma_start3A_124 = arith.constant 0 : i32
        %dma_start3A_125 = arith.constant 0 : i32
        %dma_start3A_126 = tpu.memref_slice %arg10[%dma_start3A_124, %dma_start3A_125] : memref<10240x128xf32, #tpu.memory_space<vmem_shared>> -> memref<10240x128xf32, #tpu.memory_space<vmem_shared>>
        tpu.enqueue_indirect_dma source(%arg8 : memref<128x128xf32, #tpu.memory_space<vmem>>) target(%dma_start3A_126 : memref<10240x128xf32, #tpu.memory_space<vmem_shared>>) offsets(%dma_start3A_123 : memref<128xi32, #tpu.memory_space<vmem>>) semaphore(%arg13 : memref<!tpu.dma_semaphore, #tpu.memory_space<semaphore_mem>>) {add = true}
        %dma_wait3A_127 = arith.constant 0 : i32
        %dma_wait3A_128 = tpu.memref_slice %arg7[%add3A_86, %dma_wait3A_127] : memref<40x128xi32, #tpu.memory_space<vmem>> -> memref<1x128xi32, #tpu.memory_space<vmem>>
        %dma_wait3A_129 = tpu.memref_squeeze %dma_wait3A_128 : memref<1x128xi32, #tpu.memory_space<vmem>> -> memref<128xi32, #tpu.memory_space<vmem>>
        %dma_wait3A_130 = arith.constant 0 : i32
        %dma_wait3A_131 = arith.constant 0 : i32
        %dma_wait3A_132 = tpu.memref_slice %arg10[%dma_wait3A_130, %dma_wait3A_131] : memref<10240x128xf32, #tpu.memory_space<vmem_shared>> -> memref<10240x128xf32, #tpu.memory_space<vmem_shared>>
        tpu.wait_indirect_dma semaphore(%arg14 : memref<!tpu.dma_semaphore, #tpu.memory_space<semaphore_mem>>) src(%arg9 : memref<128x128xf32, #tpu.memory_space<vmem>>) dst(%dma_wait3A_132 : memref<10240x128xf32, #tpu.memory_space<vmem_shared>>)
        %add3A_133 = arith.constant 1 : i32
        %add3A_134 = arith.addi %add3A_90, %add3A_133 : i32
        %dma_start3A_135 = arith.constant 0 : i32
        %dma_start3A_136 = tpu.memref_slice %arg6[%add3A_134, %dma_start3A_135] : memref<40x128xi32, #tpu.memory_space<vmem>> -> memref<1x128xi32, #tpu.memory_space<vmem>>
        %dma_start3A_137 = tpu.memref_squeeze %dma_start3A_136 : memref<1x128xi32, #tpu.memory_space<vmem>> -> memref<128xi32, #tpu.memory_space<vmem>>
        %dma_start3A_138 = arith.constant 0 : i32
        %dma_start3A_139 = arith.constant 0 : i32
        %dma_start3A_140 = tpu.memref_slice %arg2[%dma_start3A_138, %dma_start3A_139] : memref<10240x128xf32, #tpu.memory_space<hbm>> -> memref<10240x128xf32, #tpu.memory_space<hbm>>
        tpu.enqueue_indirect_dma source(%dma_start3A_140 : memref<10240x128xf32, #tpu.memory_space<hbm>>) target(%arg9 : memref<128x128xf32, #tpu.memory_space<vmem>>) offsets(%dma_start3A_137 : memref<128xi32, #tpu.memory_space<vmem>>) semaphore(%arg12 : memref<!tpu.dma_semaphore, #tpu.memory_space<semaphore_mem>>)
        %scan3A_141 = arith.constant 0 : i32
        scf.yield %scan3A_141 : i32
      }
      %scan3A_54 = arith.constant 19 : i32
      %dma_wait3A_55 = arith.constant 0 : i32
      %dma_wait3A_56 = arith.constant 0 : i32
      %dma_wait3A_57 = tpu.memref_slice %arg2[%dma_wait3A_55, %dma_wait3A_56] : memref<10240x128xf32, #tpu.memory_space<hbm>> -> memref<128x128xf32, #tpu.memory_space<hbm>>
      %dma_wait3A_58 = arith.constant 0 : i32
      %dma_wait3A_59 = arith.constant 0 : i32
      %dma_wait3A_60 = tpu.memref_slice %arg2[%dma_wait3A_58, %dma_wait3A_59] : memref<10240x128xf32, #tpu.memory_space<hbm>> -> memref<128x128xf32, #tpu.memory_space<hbm>>
      tpu.wait_dma2 semaphore(%arg12 : memref<!tpu.dma_semaphore, #tpu.memory_space<semaphore_mem>>) src(%dma_wait3A_60 : memref<128x128xf32, #tpu.memory_space<hbm>>) dst(%arg9 : memref<128x128xf32, #tpu.memory_space<vmem>>)
      %dma_start3A_61 = arith.constant 39 : i32
      %dma_start3A_62 = arith.constant 0 : i32
      %dma_start3A_63 = tpu.memref_slice %arg7[%dma_start3A_61, %dma_start3A_62] : memref<40x128xi32, #tpu.memory_space<vmem>> -> memref<1x128xi32, #tpu.memory_space<vmem>>
      %dma_start3A_64 = tpu.memref_squeeze %dma_start3A_63 : memref<1x128xi32, #tpu.memory_space<vmem>> -> memref<128xi32, #tpu.memory_space<vmem>>
      %dma_start3A_65 = arith.constant 0 : i32
      %dma_start3A_66 = arith.constant 0 : i32
      %dma_start3A_67 = tpu.memref_slice %arg10[%dma_start3A_65, %dma_start3A_66] : memref<10240x128xf32, #tpu.memory_space<vmem_shared>> -> memref<10240x128xf32, #tpu.memory_space<vmem_shared>>
      tpu.enqueue_indirect_dma source(%arg9 : memref<128x128xf32, #tpu.memory_space<vmem>>) target(%dma_start3A_67 : memref<10240x128xf32, #tpu.memory_space<vmem_shared>>) offsets(%dma_start3A_64 : memref<128xi32, #tpu.memory_space<vmem>>) semaphore(%arg14 : memref<!tpu.dma_semaphore, #tpu.memory_space<semaphore_mem>>) {add = true}
      %dma_wait3A_68 = arith.constant 0 : i32
      %dma_wait3A_69 = arith.constant 0 : i32
      %dma_wait3A_70 = tpu.memref_slice %arg2[%dma_wait3A_68, %dma_wait3A_69] : memref<10240x128xf32, #tpu.memory_space<hbm>> -> memref<128x128xf32, #tpu.memory_space<hbm>>
      %dma_wait3A_71 = arith.constant 0 : i32
      %dma_wait3A_72 = arith.constant 0 : i32
      %dma_wait3A_73 = tpu.memref_slice %arg2[%dma_wait3A_71, %dma_wait3A_72] : memref<10240x128xf32, #tpu.memory_space<hbm>> -> memref<128x128xf32, #tpu.memory_space<hbm>>
      tpu.wait_dma2 semaphore(%arg13 : memref<!tpu.dma_semaphore, #tpu.memory_space<semaphore_mem>>) src(%dma_wait3A_73 : memref<128x128xf32, #tpu.memory_space<hbm>>) dst(%arg8 : memref<128x128xf32, #tpu.memory_space<vmem>>)
      %dma_wait3A_74 = arith.constant 0 : i32
      %dma_wait3A_75 = arith.constant 0 : i32
      %dma_wait3A_76 = tpu.memref_slice %arg2[%dma_wait3A_74, %dma_wait3A_75] : memref<10240x128xf32, #tpu.memory_space<hbm>> -> memref<128x128xf32, #tpu.memory_space<hbm>>
      %dma_wait3A_77 = arith.constant 0 : i32
      %dma_wait3A_78 = arith.constant 0 : i32
      %dma_wait3A_79 = tpu.memref_slice %arg2[%dma_wait3A_77, %dma_wait3A_78] : memref<10240x128xf32, #tpu.memory_space<hbm>> -> memref<128x128xf32, #tpu.memory_space<hbm>>
      tpu.wait_dma2 semaphore(%arg14 : memref<!tpu.dma_semaphore, #tpu.memory_space<semaphore_mem>>) src(%dma_wait3A_79 : memref<128x128xf32, #tpu.memory_space<hbm>>) dst(%arg9 : memref<128x128xf32, #tpu.memory_space<vmem>>)
      %scan3A_80 = arith.constant 0 : i32
      scf.yield %scan3A_80 : i32
    }
    %scan3A_10 = arith.constant 2 : i32
    %barrier3A_11 = arith.constant 0 : index
    tpu.barrier barrier_id(%barrier3A_11)
    %mul3A_12 = arith.constant 640 : i32
    %mul3A_13 = arith.muli %arg1, %mul3A_12 : i32
    %mul3A_14 = arith.constant 640 : i32
    %mul3A_15 = arith.muli %arg1, %mul3A_14 : i32
    "tpu.region"() ({
      %run_scoped3A = tpu.sem_alloc : memref<!tpu.dma_semaphore, #tpu.memory_space<semaphore_mem>>
      %dma_start3A = arith.constant 0 : i32
      %dma_start3A_16 = tpu.memref_slice %arg5[%arg0, %mul3A_15, %dma_start3A] : memref<2x10240x128xf32, #tpu.memory_space<hbm>> -> memref<1x640x128xf32, #tpu.memory_space<hbm>>
      %dma_start3A_17 = tpu.memref_squeeze %dma_start3A_16 : memref<1x640x128xf32, #tpu.memory_space<hbm>> -> memref<640x128xf32, #tpu.memory_space<hbm>>
      %dma_start3A_18 = arith.constant 0 : i32
      %dma_start3A_19 = tpu.memref_slice %arg10[%mul3A_13, %dma_start3A_18] : memref<10240x128xf32, #tpu.memory_space<vmem_shared>> -> memref<640x128xf32, #tpu.memory_space<vmem_shared>>
      tpu.enqueue_dma source(%dma_start3A_19 : memref<640x128xf32, #tpu.memory_space<vmem_shared>>) target(%dma_start3A_17 : memref<640x128xf32, #tpu.memory_space<hbm>>) target_semaphore(%run_scoped3A : memref<!tpu.dma_semaphore, #tpu.memory_space<semaphore_mem>>)
      %dma_wait3A = arith.constant 0 : i32
      %dma_wait3A_20 = tpu.memref_slice %arg5[%arg0, %mul3A_15, %dma_wait3A] : memref<2x10240x128xf32, #tpu.memory_space<hbm>> -> memref<1x640x128xf32, #tpu.memory_space<hbm>>
      %dma_wait3A_21 = tpu.memref_squeeze %dma_wait3A_20 : memref<1x640x128xf32, #tpu.memory_space<hbm>> -> memref<640x128xf32, #tpu.memory_space<hbm>>
      %dma_wait3A_22 = arith.constant 0 : i32
      %dma_wait3A_23 = tpu.memref_slice %arg10[%mul3A_13, %dma_wait3A_22] : memref<10240x128xf32, #tpu.memory_space<vmem_shared>> -> memref<640x128xf32, #tpu.memory_space<vmem_shared>>
      tpu.wait_dma2 semaphore(%run_scoped3A : memref<!tpu.dma_semaphore, #tpu.memory_space<semaphore_mem>>) src(%dma_wait3A_23 : memref<640x128xf32, #tpu.memory_space<vmem_shared>>) dst(%dma_wait3A_21 : memref<640x128xf32, #tpu.memory_space<hbm>>)
      tpu.yield
    }) : () -> ()
    return
  }
}

#map = affine_map<(d0, d1) -> (0)>
#map1 = affine_map<(d0, d1) -> (0, 0)>
module attributes {stable_mosaic.version = 14 : i64} {
  func.func @_sprop_kernel(%arg0: i32, %arg1: i32, %arg2: memref<10240xf32, #tpu.memory_space<hbm>>, %arg3: memref<2560x128xi32, #tpu.memory_space<hbm>>, %arg4: memref<2560x128xi32, #tpu.memory_space<hbm>>, %arg5: memref<2x10240xf32, #tpu.memory_space<hbm>>, %arg6: memref<10240xf32, #tpu.memory_space<vmem>>, %arg7: memref<80x128xi32, #tpu.memory_space<vmem>>, %arg8: memref<80x128xi32, #tpu.memory_space<vmem>>, %arg9: memref<10240xf32, #tpu.memory_space<vmem>>, %arg10: memref<16x640xf32, #tpu.memory_space<vmem>>, %arg11: memref<640xf32, #tpu.memory_space<vmem>>, %arg12: memref<16x10240xf32, #tpu.memory_space<vmem_shared>>) attributes {dimension_semantics = [#tpu.dimension_semantics<core_parallel>, #tpu.dimension_semantics<subcore_parallel>], iteration_bounds = array<i64: 2, 16>, scalar_prefetch = 0 : i64, scratch_operands = 7 : i64, tpu.core_type = #tpu.core_type<sc_vector_subcore>, window_params = [{transform_indices = #map}, {transform_indices = #map1}, {transform_indices = #map1}, {transform_indices = #map1}]} {
    %mul3A = arith.constant 16 : i32
    %mul3A_0 = arith.muli %arg0, %mul3A : i32
    %add3A = arith.addi %mul3A_0, %arg1 : i32
    "tpu.region"() ({
      %run_scoped3A = tpu.sem_alloc : memref<!tpu.dma_semaphore, #tpu.memory_space<semaphore_mem>>
      tpu.enqueue_dma source(%arg2 : memref<10240xf32, #tpu.memory_space<hbm>>) target(%arg6 : memref<10240xf32, #tpu.memory_space<vmem>>) target_semaphore(%run_scoped3A : memref<!tpu.dma_semaphore, #tpu.memory_space<semaphore_mem>>)
      tpu.wait_dma2 semaphore(%run_scoped3A : memref<!tpu.dma_semaphore, #tpu.memory_space<semaphore_mem>>) src(%arg2 : memref<10240xf32, #tpu.memory_space<hbm>>) dst(%arg6 : memref<10240xf32, #tpu.memory_space<vmem>>)
      tpu.yield
    }) : () -> ()
    %mul3A_1 = arith.constant 80 : i32
    %mul3A_2 = arith.muli %add3A, %mul3A_1 : i32
    "tpu.region"() ({
      %run_scoped3A = tpu.sem_alloc : memref<!tpu.dma_semaphore, #tpu.memory_space<semaphore_mem>>
      %dma_start3A = arith.constant 0 : i32
      %dma_start3A_29 = tpu.memref_slice %arg3[%mul3A_2, %dma_start3A] : memref<2560x128xi32, #tpu.memory_space<hbm>> -> memref<80x128xi32, #tpu.memory_space<hbm>>
      %dma_start3A_30 = arith.constant 0 : i32
      %dma_start3A_31 = tpu.memref_slice %arg3[%mul3A_2, %dma_start3A_30] : memref<2560x128xi32, #tpu.memory_space<hbm>> -> memref<80x128xi32, #tpu.memory_space<hbm>>
      tpu.enqueue_dma source(%dma_start3A_31 : memref<80x128xi32, #tpu.memory_space<hbm>>) target(%arg7 : memref<80x128xi32, #tpu.memory_space<vmem>>) target_semaphore(%run_scoped3A : memref<!tpu.dma_semaphore, #tpu.memory_space<semaphore_mem>>)
      %dma_wait3A = arith.constant 0 : i32
      %dma_wait3A_32 = tpu.memref_slice %arg3[%mul3A_2, %dma_wait3A] : memref<2560x128xi32, #tpu.memory_space<hbm>> -> memref<80x128xi32, #tpu.memory_space<hbm>>
      %dma_wait3A_33 = arith.constant 0 : i32
      %dma_wait3A_34 = tpu.memref_slice %arg3[%mul3A_2, %dma_wait3A_33] : memref<2560x128xi32, #tpu.memory_space<hbm>> -> memref<80x128xi32, #tpu.memory_space<hbm>>
      tpu.wait_dma2 semaphore(%run_scoped3A : memref<!tpu.dma_semaphore, #tpu.memory_space<semaphore_mem>>) src(%dma_wait3A_34 : memref<80x128xi32, #tpu.memory_space<hbm>>) dst(%arg7 : memref<80x128xi32, #tpu.memory_space<vmem>>)
      tpu.yield
    }) : () -> ()
    %mul3A_3 = arith.constant 80 : i32
    %mul3A_4 = arith.muli %add3A, %mul3A_3 : i32
    "tpu.region"() ({
      %run_scoped3A = tpu.sem_alloc : memref<!tpu.dma_semaphore, #tpu.memory_space<semaphore_mem>>
      %dma_start3A = arith.constant 0 : i32
      %dma_start3A_29 = tpu.memref_slice %arg4[%mul3A_4, %dma_start3A] : memref<2560x128xi32, #tpu.memory_space<hbm>> -> memref<80x128xi32, #tpu.memory_space<hbm>>
      %dma_start3A_30 = arith.constant 0 : i32
      %dma_start3A_31 = tpu.memref_slice %arg4[%mul3A_4, %dma_start3A_30] : memref<2560x128xi32, #tpu.memory_space<hbm>> -> memref<80x128xi32, #tpu.memory_space<hbm>>
      tpu.enqueue_dma source(%dma_start3A_31 : memref<80x128xi32, #tpu.memory_space<hbm>>) target(%arg8 : memref<80x128xi32, #tpu.memory_space<vmem>>) target_semaphore(%run_scoped3A : memref<!tpu.dma_semaphore, #tpu.memory_space<semaphore_mem>>)
      %dma_wait3A = arith.constant 0 : i32
      %dma_wait3A_32 = tpu.memref_slice %arg4[%mul3A_4, %dma_wait3A] : memref<2560x128xi32, #tpu.memory_space<hbm>> -> memref<80x128xi32, #tpu.memory_space<hbm>>
      %dma_wait3A_33 = arith.constant 0 : i32
      %dma_wait3A_34 = tpu.memref_slice %arg4[%mul3A_4, %dma_wait3A_33] : memref<2560x128xi32, #tpu.memory_space<hbm>> -> memref<80x128xi32, #tpu.memory_space<hbm>>
      tpu.wait_dma2 semaphore(%run_scoped3A : memref<!tpu.dma_semaphore, #tpu.memory_space<semaphore_mem>>) src(%dma_wait3A_34 : memref<80x128xi32, #tpu.memory_space<hbm>>) dst(%arg8 : memref<80x128xi32, #tpu.memory_space<vmem>>)
      tpu.yield
    }) : () -> ()
    %scan3A = arith.constant 0 : i32
    %scan3A_5 = arith.constant 0 : i32
    %scan3A_6 = arith.constant 640 : i32
    %scan3A_7 = arith.addi %scan3A_5, %scan3A_6 : i32
    %scan3A_8 = arith.constant 1 : i32
    %scan3A_9 = scf.for %scan3A_29 = %scan3A_5 to %scan3A_7 step %scan3A_8 iter_args(%scan3A_30 = %scan3A) -> (i32)  : i32 {
      %broadcast_in_dim3A = arith.constant 0.000000e+00 : f32
      %broadcast_in_dim3A_31 = vector.broadcast %broadcast_in_dim3A : f32 to vector<16xf32>
      %mul3A_32 = arith.constant 16 : i32
      %mul3A_33 = arith.muli %scan3A_29, %mul3A_32 : i32
      %swap3A = arith.index_cast %mul3A_33 : i32 to index
      %swap3A_34 = tpu.vector_load %arg9[%swap3A] {strides = array<i32>} : memref<10240xf32, #tpu.memory_space<vmem>>, vector<16xf32>,
      tpu.vector_store %arg9[%swap3A], %broadcast_in_dim3A_31 {strides = array<i32>} : memref<10240xf32, #tpu.memory_space<vmem>>, vector<16xf32>,
      %scan3A_35 = arith.constant 0 : i32
      scf.yield %scan3A_35 : i32
    }
    %scan3A_10 = arith.constant 640 : i32
    %scan3A_11 = arith.constant 0 : i32
    %scan3A_12 = arith.constant 0 : i32
    %scan3A_13 = arith.constant 80 : i32
    %scan3A_14 = arith.addi %scan3A_12, %scan3A_13 : i32
    %scan3A_15 = arith.constant 1 : i32
    %scan3A_16 = scf.for %scan3A_29 = %scan3A_12 to %scan3A_14 step %scan3A_15 iter_args(%scan3A_30 = %scan3A_11) -> (i32)  : i32 {
      %get3A = arith.index_cast %scan3A_29 : i32 to index
      %get3A_31 = arith.constant 0 : index
      %get3A_32 = tpu.vector_load %arg7[%get3A, %get3A_31] {strides = array<i32>} : memref<80x128xi32, #tpu.memory_space<vmem>>, vector<16xi32>,
      %get3A_33 = arith.index_cast %scan3A_29 : i32 to index
      %get3A_34 = arith.constant 0 : index
      %get3A_35 = tpu.vector_load %arg8[%get3A_33, %get3A_34] {strides = array<i32>} : memref<80x128xi32, #tpu.memory_space<vmem>>, vector<16xi32>,
      %gather3A = tpu.vector_load_idx %arg6[%get3A_32] : memref<10240xf32, #tpu.memory_space<vmem>>[vector<16xi32>], vector<16xf32>,
      tpu.vector_store_idx %arg9[%get3A_35], %gather3A {add = true} : memref<10240xf32, #tpu.memory_space<vmem>>[vector<16xi32>], vector<16xf32>,
      %get3A_36 = arith.index_cast %scan3A_29 : i32 to index
      %get3A_37 = arith.constant 16 : index
      %get3A_38 = tpu.vector_load %arg7[%get3A_36, %get3A_37] {strides = array<i32>} : memref<80x128xi32, #tpu.memory_space<vmem>>, vector<16xi32>,
      %get3A_39 = arith.index_cast %scan3A_29 : i32 to index
      %get3A_40 = arith.constant 16 : index
      %get3A_41 = tpu.vector_load %arg8[%get3A_39, %get3A_40] {strides = array<i32>} : memref<80x128xi32, #tpu.memory_space<vmem>>, vector<16xi32>,
      %gather3A_42 = tpu.vector_load_idx %arg6[%get3A_38] : memref<10240xf32, #tpu.memory_space<vmem>>[vector<16xi32>], vector<16xf32>,
      tpu.vector_store_idx %arg9[%get3A_41], %gather3A_42 {add = true} : memref<10240xf32, #tpu.memory_space<vmem>>[vector<16xi32>], vector<16xf32>,
      %get3A_43 = arith.index_cast %scan3A_29 : i32 to index
      %get3A_44 = arith.constant 32 : index
      %get3A_45 = tpu.vector_load %arg7[%get3A_43, %get3A_44] {strides = array<i32>} : memref<80x128xi32, #tpu.memory_space<vmem>>, vector<16xi32>,
      %get3A_46 = arith.index_cast %scan3A_29 : i32 to index
      %get3A_47 = arith.constant 32 : index
      %get3A_48 = tpu.vector_load %arg8[%get3A_46, %get3A_47] {strides = array<i32>} : memref<80x128xi32, #tpu.memory_space<vmem>>, vector<16xi32>,
      %gather3A_49 = tpu.vector_load_idx %arg6[%get3A_45] : memref<10240xf32, #tpu.memory_space<vmem>>[vector<16xi32>], vector<16xf32>,
      tpu.vector_store_idx %arg9[%get3A_48], %gather3A_49 {add = true} : memref<10240xf32, #tpu.memory_space<vmem>>[vector<16xi32>], vector<16xf32>,
      %get3A_50 = arith.index_cast %scan3A_29 : i32 to index
      %get3A_51 = arith.constant 48 : index
      %get3A_52 = tpu.vector_load %arg7[%get3A_50, %get3A_51] {strides = array<i32>} : memref<80x128xi32, #tpu.memory_space<vmem>>, vector<16xi32>,
      %get3A_53 = arith.index_cast %scan3A_29 : i32 to index
      %get3A_54 = arith.constant 48 : index
      %get3A_55 = tpu.vector_load %arg8[%get3A_53, %get3A_54] {strides = array<i32>} : memref<80x128xi32, #tpu.memory_space<vmem>>, vector<16xi32>,
      %gather3A_56 = tpu.vector_load_idx %arg6[%get3A_52] : memref<10240xf32, #tpu.memory_space<vmem>>[vector<16xi32>], vector<16xf32>,
      tpu.vector_store_idx %arg9[%get3A_55], %gather3A_56 {add = true} : memref<10240xf32, #tpu.memory_space<vmem>>[vector<16xi32>], vector<16xf32>,
      %get3A_57 = arith.index_cast %scan3A_29 : i32 to index
      %get3A_58 = arith.constant 64 : index
      %get3A_59 = tpu.vector_load %arg7[%get3A_57, %get3A_58] {strides = array<i32>} : memref<80x128xi32, #tpu.memory_space<vmem>>, vector<16xi32>,
      %get3A_60 = arith.index_cast %scan3A_29 : i32 to index
      %get3A_61 = arith.constant 64 : index
      %get3A_62 = tpu.vector_load %arg8[%get3A_60, %get3A_61] {strides = array<i32>} : memref<80x128xi32, #tpu.memory_space<vmem>>, vector<16xi32>,
      %gather3A_63 = tpu.vector_load_idx %arg6[%get3A_59] : memref<10240xf32, #tpu.memory_space<vmem>>[vector<16xi32>], vector<16xf32>,
      tpu.vector_store_idx %arg9[%get3A_62], %gather3A_63 {add = true} : memref<10240xf32, #tpu.memory_space<vmem>>[vector<16xi32>], vector<16xf32>,
      %get3A_64 = arith.index_cast %scan3A_29 : i32 to index
      %get3A_65 = arith.constant 80 : index
      %get3A_66 = tpu.vector_load %arg7[%get3A_64, %get3A_65] {strides = array<i32>} : memref<80x128xi32, #tpu.memory_space<vmem>>, vector<16xi32>,
      %get3A_67 = arith.index_cast %scan3A_29 : i32 to index
      %get3A_68 = arith.constant 80 : index
      %get3A_69 = tpu.vector_load %arg8[%get3A_67, %get3A_68] {strides = array<i32>} : memref<80x128xi32, #tpu.memory_space<vmem>>, vector<16xi32>,
      %gather3A_70 = tpu.vector_load_idx %arg6[%get3A_66] : memref<10240xf32, #tpu.memory_space<vmem>>[vector<16xi32>], vector<16xf32>,
      tpu.vector_store_idx %arg9[%get3A_69], %gather3A_70 {add = true} : memref<10240xf32, #tpu.memory_space<vmem>>[vector<16xi32>], vector<16xf32>,
      %get3A_71 = arith.index_cast %scan3A_29 : i32 to index
      %get3A_72 = arith.constant 96 : index
      %get3A_73 = tpu.vector_load %arg7[%get3A_71, %get3A_72] {strides = array<i32>} : memref<80x128xi32, #tpu.memory_space<vmem>>, vector<16xi32>,
      %get3A_74 = arith.index_cast %scan3A_29 : i32 to index
      %get3A_75 = arith.constant 96 : index
      %get3A_76 = tpu.vector_load %arg8[%get3A_74, %get3A_75] {strides = array<i32>} : memref<80x128xi32, #tpu.memory_space<vmem>>, vector<16xi32>,
      %gather3A_77 = tpu.vector_load_idx %arg6[%get3A_73] : memref<10240xf32, #tpu.memory_space<vmem>>[vector<16xi32>], vector<16xf32>,
      tpu.vector_store_idx %arg9[%get3A_76], %gather3A_77 {add = true} : memref<10240xf32, #tpu.memory_space<vmem>>[vector<16xi32>], vector<16xf32>,
      %get3A_78 = arith.index_cast %scan3A_29 : i32 to index
      %get3A_79 = arith.constant 112 : index
      %get3A_80 = tpu.vector_load %arg7[%get3A_78, %get3A_79] {strides = array<i32>} : memref<80x128xi32, #tpu.memory_space<vmem>>, vector<16xi32>,
      %get3A_81 = arith.index_cast %scan3A_29 : i32 to index
      %get3A_82 = arith.constant 112 : index
      %get3A_83 = tpu.vector_load %arg8[%get3A_81, %get3A_82] {strides = array<i32>} : memref<80x128xi32, #tpu.memory_space<vmem>>, vector<16xi32>,
      %gather3A_84 = tpu.vector_load_idx %arg6[%get3A_80] : memref<10240xf32, #tpu.memory_space<vmem>>[vector<16xi32>], vector<16xf32>,
      tpu.vector_store_idx %arg9[%get3A_83], %gather3A_84 {add = true} : memref<10240xf32, #tpu.memory_space<vmem>>[vector<16xi32>], vector<16xf32>,
      %scan3A_85 = arith.constant 0 : i32
      scf.yield %scan3A_85 : i32
    }
    %scan3A_17 = arith.constant 80 : i32
    %mul3A_18 = arith.constant 640 : i32
    %mul3A_19 = arith.muli %arg1, %mul3A_18 : i32
    "tpu.region"() ({
      %run_scoped3A = tpu.sem_alloc : memref<!tpu.dma_semaphore, #tpu.memory_space<semaphore_mem>>
      %dma_start3A = arith.constant 0 : i32
      %dma_start3A_29 = tpu.memref_slice %arg12[%arg1, %dma_start3A] : memref<16x10240xf32, #tpu.memory_space<vmem_shared>> -> memref<1x10240xf32, #tpu.memory_space<vmem_shared>>
      %dma_start3A_30 = tpu.memref_squeeze %dma_start3A_29 : memref<1x10240xf32, #tpu.memory_space<vmem_shared>> -> memref<10240xf32, #tpu.memory_space<vmem_shared>>
      %dma_start3A_31 = arith.constant 0 : i32
      %dma_start3A_32 = tpu.memref_slice %arg12[%arg1, %dma_start3A_31] : memref<16x10240xf32, #tpu.memory_space<vmem_shared>> -> memref<1x10240xf32, #tpu.memory_space<vmem_shared>>
      %dma_start3A_33 = tpu.memref_squeeze %dma_start3A_32 : memref<1x10240xf32, #tpu.memory_space<vmem_shared>> -> memref<10240xf32, #tpu.memory_space<vmem_shared>>
      tpu.enqueue_dma source(%arg9 : memref<10240xf32, #tpu.memory_space<vmem>>) target(%dma_start3A_33 : memref<10240xf32, #tpu.memory_space<vmem_shared>>) target_semaphore(%run_scoped3A : memref<!tpu.dma_semaphore, #tpu.memory_space<semaphore_mem>>)
      %dma_wait3A = arith.constant 0 : i32
      %dma_wait3A_34 = tpu.memref_slice %arg12[%arg1, %dma_wait3A] : memref<16x10240xf32, #tpu.memory_space<vmem_shared>> -> memref<1x10240xf32, #tpu.memory_space<vmem_shared>>
      %dma_wait3A_35 = tpu.memref_squeeze %dma_wait3A_34 : memref<1x10240xf32, #tpu.memory_space<vmem_shared>> -> memref<10240xf32, #tpu.memory_space<vmem_shared>>
      %dma_wait3A_36 = arith.constant 0 : i32
      %dma_wait3A_37 = tpu.memref_slice %arg12[%arg1, %dma_wait3A_36] : memref<16x10240xf32, #tpu.memory_space<vmem_shared>> -> memref<1x10240xf32, #tpu.memory_space<vmem_shared>>
      %dma_wait3A_38 = tpu.memref_squeeze %dma_wait3A_37 : memref<1x10240xf32, #tpu.memory_space<vmem_shared>> -> memref<10240xf32, #tpu.memory_space<vmem_shared>>
      tpu.wait_dma2 semaphore(%run_scoped3A : memref<!tpu.dma_semaphore, #tpu.memory_space<semaphore_mem>>) src(%arg9 : memref<10240xf32, #tpu.memory_space<vmem>>) dst(%dma_wait3A_38 : memref<10240xf32, #tpu.memory_space<vmem_shared>>)
      tpu.yield
    }) : () -> ()
    %barrier3A = arith.constant 0 : index
    tpu.barrier barrier_id(%barrier3A)
    %mul3A_20 = arith.constant 640 : i32
    %mul3A_21 = arith.muli %arg1, %mul3A_20 : i32
    "tpu.region"() ({
      %run_scoped3A = tpu.sem_alloc : memref<!tpu.dma_semaphore, #tpu.memory_space<semaphore_mem>>
      %dma_start3A = arith.constant 0 : i32
      %dma_start3A_29 = tpu.memref_slice %arg12[%dma_start3A, %mul3A_21] : memref<16x10240xf32, #tpu.memory_space<vmem_shared>> -> memref<16x640xf32, #tpu.memory_space<vmem_shared>>
      %dma_start3A_30 = arith.constant 0 : i32
      %dma_start3A_31 = tpu.memref_slice %arg12[%dma_start3A_30, %mul3A_21] : memref<16x10240xf32, #tpu.memory_space<vmem_shared>> -> memref<16x640xf32, #tpu.memory_space<vmem_shared>>
      tpu.enqueue_dma source(%dma_start3A_31 : memref<16x640xf32, #tpu.memory_space<vmem_shared>>) target(%arg10 : memref<16x640xf32, #tpu.memory_space<vmem>>) target_semaphore(%run_scoped3A : memref<!tpu.dma_semaphore, #tpu.memory_space<semaphore_mem>>)
      %dma_wait3A = arith.constant 0 : i32
      %dma_wait3A_32 = tpu.memref_slice %arg12[%dma_wait3A, %mul3A_21] : memref<16x10240xf32, #tpu.memory_space<vmem_shared>> -> memref<16x640xf32, #tpu.memory_space<vmem_shared>>
      %dma_wait3A_33 = arith.constant 0 : i32
      %dma_wait3A_34 = tpu.memref_slice %arg12[%dma_wait3A_33, %mul3A_21] : memref<16x10240xf32, #tpu.memory_space<vmem_shared>> -> memref<16x640xf32, #tpu.memory_space<vmem_shared>>
      tpu.wait_dma2 semaphore(%run_scoped3A : memref<!tpu.dma_semaphore, #tpu.memory_space<semaphore_mem>>) src(%dma_wait3A_34 : memref<16x640xf32, #tpu.memory_space<vmem_shared>>) dst(%arg10 : memref<16x640xf32, #tpu.memory_space<vmem>>)
      tpu.yield
    }) : () -> ()
    %scan3A_22 = arith.constant 0 : i32
    %scan3A_23 = arith.constant 0 : i32
    %scan3A_24 = arith.constant 40 : i32
    %scan3A_25 = arith.addi %scan3A_23, %scan3A_24 : i32
    %scan3A_26 = arith.constant 1 : i32
    %scan3A_27 = scf.for %scan3A_29 = %scan3A_23 to %scan3A_25 step %scan3A_26 iter_args(%scan3A_30 = %scan3A_22) -> (i32)  : i32 {
      %mul3A_31 = arith.constant 16 : i32
      %mul3A_32 = arith.muli %scan3A_29, %mul3A_31 : i32
      %get3A = arith.constant 0 : i32
      %get3A_33 = arith.index_cast %get3A : i32 to index
      %get3A_34 = arith.index_cast %mul3A_32 : i32 to index
      %get3A_35 = tpu.vector_load %arg10[%get3A_33, %get3A_34] {strides = array<i32>} : memref<16x640xf32, #tpu.memory_space<vmem>>, vector<16xf32>,
      %mul3A_36 = arith.constant 16 : i32
      %mul3A_37 = arith.muli %scan3A_29, %mul3A_36 : i32
      %get3A_38 = arith.constant 1 : i32
      %get3A_39 = arith.index_cast %get3A_38 : i32 to index
      %get3A_40 = arith.index_cast %mul3A_37 : i32 to index
      %get3A_41 = tpu.vector_load %arg10[%get3A_39, %get3A_40] {strides = array<i32>} : memref<16x640xf32, #tpu.memory_space<vmem>>, vector<16xf32>,
      %add3A_42 = arith.addf %get3A_35, %get3A_41 : vector<16xf32>
      %mul3A_43 = arith.constant 16 : i32
      %mul3A_44 = arith.muli %scan3A_29, %mul3A_43 : i32
      %get3A_45 = arith.constant 2 : i32
      %get3A_46 = arith.index_cast %get3A_45 : i32 to index
      %get3A_47 = arith.index_cast %mul3A_44 : i32 to index
      %get3A_48 = tpu.vector_load %arg10[%get3A_46, %get3A_47] {strides = array<i32>} : memref<16x640xf32, #tpu.memory_space<vmem>>, vector<16xf32>,
      %add3A_49 = arith.addf %add3A_42, %get3A_48 : vector<16xf32>
      %mul3A_50 = arith.constant 16 : i32
      %mul3A_51 = arith.muli %scan3A_29, %mul3A_50 : i32
      %get3A_52 = arith.constant 3 : i32
      %get3A_53 = arith.index_cast %get3A_52 : i32 to index
      %get3A_54 = arith.index_cast %mul3A_51 : i32 to index
      %get3A_55 = tpu.vector_load %arg10[%get3A_53, %get3A_54] {strides = array<i32>} : memref<16x640xf32, #tpu.memory_space<vmem>>, vector<16xf32>,
      %add3A_56 = arith.addf %add3A_49, %get3A_55 : vector<16xf32>
      %mul3A_57 = arith.constant 16 : i32
      %mul3A_58 = arith.muli %scan3A_29, %mul3A_57 : i32
      %get3A_59 = arith.constant 4 : i32
      %get3A_60 = arith.index_cast %get3A_59 : i32 to index
      %get3A_61 = arith.index_cast %mul3A_58 : i32 to index
      %get3A_62 = tpu.vector_load %arg10[%get3A_60, %get3A_61] {strides = array<i32>} : memref<16x640xf32, #tpu.memory_space<vmem>>, vector<16xf32>,
      %add3A_63 = arith.addf %add3A_56, %get3A_62 : vector<16xf32>
      %mul3A_64 = arith.constant 16 : i32
      %mul3A_65 = arith.muli %scan3A_29, %mul3A_64 : i32
      %get3A_66 = arith.constant 5 : i32
      %get3A_67 = arith.index_cast %get3A_66 : i32 to index
      %get3A_68 = arith.index_cast %mul3A_65 : i32 to index
      %get3A_69 = tpu.vector_load %arg10[%get3A_67, %get3A_68] {strides = array<i32>} : memref<16x640xf32, #tpu.memory_space<vmem>>, vector<16xf32>,
      %add3A_70 = arith.addf %add3A_63, %get3A_69 : vector<16xf32>
      %mul3A_71 = arith.constant 16 : i32
      %mul3A_72 = arith.muli %scan3A_29, %mul3A_71 : i32
      %get3A_73 = arith.constant 6 : i32
      %get3A_74 = arith.index_cast %get3A_73 : i32 to index
      %get3A_75 = arith.index_cast %mul3A_72 : i32 to index
      %get3A_76 = tpu.vector_load %arg10[%get3A_74, %get3A_75] {strides = array<i32>} : memref<16x640xf32, #tpu.memory_space<vmem>>, vector<16xf32>,
      %add3A_77 = arith.addf %add3A_70, %get3A_76 : vector<16xf32>
      %mul3A_78 = arith.constant 16 : i32
      %mul3A_79 = arith.muli %scan3A_29, %mul3A_78 : i32
      %get3A_80 = arith.constant 7 : i32
      %get3A_81 = arith.index_cast %get3A_80 : i32 to index
      %get3A_82 = arith.index_cast %mul3A_79 : i32 to index
      %get3A_83 = tpu.vector_load %arg10[%get3A_81, %get3A_82] {strides = array<i32>} : memref<16x640xf32, #tpu.memory_space<vmem>>, vector<16xf32>,
      %add3A_84 = arith.addf %add3A_77, %get3A_83 : vector<16xf32>
      %mul3A_85 = arith.constant 16 : i32
      %mul3A_86 = arith.muli %scan3A_29, %mul3A_85 : i32
      %get3A_87 = arith.constant 8 : i32
      %get3A_88 = arith.index_cast %get3A_87 : i32 to index
      %get3A_89 = arith.index_cast %mul3A_86 : i32 to index
      %get3A_90 = tpu.vector_load %arg10[%get3A_88, %get3A_89] {strides = array<i32>} : memref<16x640xf32, #tpu.memory_space<vmem>>, vector<16xf32>,
      %add3A_91 = arith.addf %add3A_84, %get3A_90 : vector<16xf32>
      %mul3A_92 = arith.constant 16 : i32
      %mul3A_93 = arith.muli %scan3A_29, %mul3A_92 : i32
      %get3A_94 = arith.constant 9 : i32
      %get3A_95 = arith.index_cast %get3A_94 : i32 to index
      %get3A_96 = arith.index_cast %mul3A_93 : i32 to index
      %get3A_97 = tpu.vector_load %arg10[%get3A_95, %get3A_96] {strides = array<i32>} : memref<16x640xf32, #tpu.memory_space<vmem>>, vector<16xf32>,
      %add3A_98 = arith.addf %add3A_91, %get3A_97 : vector<16xf32>
      %mul3A_99 = arith.constant 16 : i32
      %mul3A_100 = arith.muli %scan3A_29, %mul3A_99 : i32
      %get3A_101 = arith.constant 10 : i32
      %get3A_102 = arith.index_cast %get3A_101 : i32 to index
      %get3A_103 = arith.index_cast %mul3A_100 : i32 to index
      %get3A_104 = tpu.vector_load %arg10[%get3A_102, %get3A_103] {strides = array<i32>} : memref<16x640xf32, #tpu.memory_space<vmem>>, vector<16xf32>,
      %add3A_105 = arith.addf %add3A_98, %get3A_104 : vector<16xf32>
      %mul3A_106 = arith.constant 16 : i32
      %mul3A_107 = arith.muli %scan3A_29, %mul3A_106 : i32
      %get3A_108 = arith.constant 11 : i32
      %get3A_109 = arith.index_cast %get3A_108 : i32 to index
      %get3A_110 = arith.index_cast %mul3A_107 : i32 to index
      %get3A_111 = tpu.vector_load %arg10[%get3A_109, %get3A_110] {strides = array<i32>} : memref<16x640xf32, #tpu.memory_space<vmem>>, vector<16xf32>,
      %add3A_112 = arith.addf %add3A_105, %get3A_111 : vector<16xf32>
      %mul3A_113 = arith.constant 16 : i32
      %mul3A_114 = arith.muli %scan3A_29, %mul3A_113 : i32
      %get3A_115 = arith.constant 12 : i32
      %get3A_116 = arith.index_cast %get3A_115 : i32 to index
      %get3A_117 = arith.index_cast %mul3A_114 : i32 to index
      %get3A_118 = tpu.vector_load %arg10[%get3A_116, %get3A_117] {strides = array<i32>} : memref<16x640xf32, #tpu.memory_space<vmem>>, vector<16xf32>,
      %add3A_119 = arith.addf %add3A_112, %get3A_118 : vector<16xf32>
      %mul3A_120 = arith.constant 16 : i32
      %mul3A_121 = arith.muli %scan3A_29, %mul3A_120 : i32
      %get3A_122 = arith.constant 13 : i32
      %get3A_123 = arith.index_cast %get3A_122 : i32 to index
      %get3A_124 = arith.index_cast %mul3A_121 : i32 to index
      %get3A_125 = tpu.vector_load %arg10[%get3A_123, %get3A_124] {strides = array<i32>} : memref<16x640xf32, #tpu.memory_space<vmem>>, vector<16xf32>,
      %add3A_126 = arith.addf %add3A_119, %get3A_125 : vector<16xf32>
      %mul3A_127 = arith.constant 16 : i32
      %mul3A_128 = arith.muli %scan3A_29, %mul3A_127 : i32
      %get3A_129 = arith.constant 14 : i32
      %get3A_130 = arith.index_cast %get3A_129 : i32 to index
      %get3A_131 = arith.index_cast %mul3A_128 : i32 to index
      %get3A_132 = tpu.vector_load %arg10[%get3A_130, %get3A_131] {strides = array<i32>} : memref<16x640xf32, #tpu.memory_space<vmem>>, vector<16xf32>,
      %add3A_133 = arith.addf %add3A_126, %get3A_132 : vector<16xf32>
      %mul3A_134 = arith.constant 16 : i32
      %mul3A_135 = arith.muli %scan3A_29, %mul3A_134 : i32
      %get3A_136 = arith.constant 15 : i32
      %get3A_137 = arith.index_cast %get3A_136 : i32 to index
      %get3A_138 = arith.index_cast %mul3A_135 : i32 to index
      %get3A_139 = tpu.vector_load %arg10[%get3A_137, %get3A_138] {strides = array<i32>} : memref<16x640xf32, #tpu.memory_space<vmem>>, vector<16xf32>,
      %add3A_140 = arith.addf %add3A_133, %get3A_139 : vector<16xf32>
      %mul3A_141 = arith.constant 16 : i32
      %mul3A_142 = arith.muli %scan3A_29, %mul3A_141 : i32
      %swap3A = arith.index_cast %mul3A_142 : i32 to index
      %swap3A_143 = tpu.vector_load %arg11[%swap3A] {strides = array<i32>} : memref<640xf32, #tpu.memory_space<vmem>>, vector<16xf32>,
      tpu.vector_store %arg11[%swap3A], %add3A_140 {strides = array<i32>} : memref<640xf32, #tpu.memory_space<vmem>>, vector<16xf32>,
      %scan3A_144 = arith.constant 0 : i32
      scf.yield %scan3A_144 : i32
    }
    %scan3A_28 = arith.constant 40 : i32
    "tpu.region"() ({
      %run_scoped3A = tpu.sem_alloc : memref<!tpu.dma_semaphore, #tpu.memory_space<semaphore_mem>>
      %dma_start3A = tpu.memref_slice %arg5[%arg0, %mul3A_19] : memref<2x10240xf32, #tpu.memory_space<hbm>> -> memref<1x640xf32, #tpu.memory_space<hbm>>
      %dma_start3A_29 = tpu.memref_squeeze %dma_start3A : memref<1x640xf32, #tpu.memory_space<hbm>> -> memref<640xf32, #tpu.memory_space<hbm>>
      %dma_start3A_30 = tpu.memref_slice %arg5[%arg0, %mul3A_19] : memref<2x10240xf32, #tpu.memory_space<hbm>> -> memref<1x640xf32, #tpu.memory_space<hbm>>
      %dma_start3A_31 = tpu.memref_squeeze %dma_start3A_30 : memref<1x640xf32, #tpu.memory_space<hbm>> -> memref<640xf32, #tpu.memory_space<hbm>>
      tpu.enqueue_dma source(%arg11 : memref<640xf32, #tpu.memory_space<vmem>>) target(%dma_start3A_31 : memref<640xf32, #tpu.memory_space<hbm>>) target_semaphore(%run_scoped3A : memref<!tpu.dma_semaphore, #tpu.memory_space<semaphore_mem>>)
      %dma_wait3A = tpu.memref_slice %arg5[%arg0, %mul3A_19] : memref<2x10240xf32, #tpu.memory_space<hbm>> -> memref<1x640xf32, #tpu.memory_space<hbm>>
      %dma_wait3A_32 = tpu.memref_squeeze %dma_wait3A : memref<1x640xf32, #tpu.memory_space<hbm>> -> memref<640xf32, #tpu.memory_space<hbm>>
      %dma_wait3A_33 = tpu.memref_slice %arg5[%arg0, %mul3A_19] : memref<2x10240xf32, #tpu.memory_space<hbm>> -> memref<1x640xf32, #tpu.memory_space<hbm>>
      %dma_wait3A_34 = tpu.memref_squeeze %dma_wait3A_33 : memref<1x640xf32, #tpu.memory_space<hbm>> -> memref<640xf32, #tpu.memory_space<hbm>>
      tpu.wait_dma2 semaphore(%run_scoped3A : memref<!tpu.dma_semaphore, #tpu.memory_space<semaphore_mem>>) src(%arg11 : memref<640xf32, #tpu.memory_space<vmem>>) dst(%dma_wait3A_34 : memref<640xf32, #tpu.memory_space<hbm>>)
      tpu.yield
    }) : () -> ()
    return
  }
}

module attributes {stable_mosaic.version = 14 : i64} {
  func.func @_mm1_body(%arg0: i32, %arg1: memref<128x128xf32, #tpu.memory_space<vmem>>, %arg2: memref<128x128xf32, #tpu.memory_space<vmem>>, %arg3: memref<128x1xf32, #tpu.memory_space<vmem>>, %arg4: memref<128x1xf32, #tpu.memory_space<vmem>>, %arg5: memref<128x128xf32, #tpu.memory_space<vmem>>, %arg6: memref<128x1xf32, #tpu.memory_space<vmem>>) attributes {dimension_semantics = [#tpu.dimension_semantics<arbitrary>], iteration_bounds = array<i64: 80>, scalar_prefetch = 0 : i64, scratch_operands = 0 : i64, tpu.core_type = #tpu.core_type<tc>, window_params = [{transform_indices = @transform_0, window_bounds = array<i64: 128, 128>}, {pipeline_mode = #tpu.pipeline_mode<synchronous>, transform_indices = @transform_1, window_bounds = array<i64: 128, 128>}, {transform_indices = @transform_2, window_bounds = array<i64: 128, 1>}, {transform_indices = @transform_3, window_bounds = array<i64: 128, 1>}, {transform_indices = @transform_4, window_bounds = array<i64: 128, 128>}, {transform_indices = @transform_5, window_bounds = array<i64: 128, 1>}]} {
    %get3A = arith.constant 0 : index
    %get3A_0 = arith.constant 0 : index
    %get3A_1 = vector.load %arg3[%get3A, %get3A_0] : memref<128x1xf32, #tpu.memory_space<vmem>>, vector<128x1xf32>
    %get3A_2 = arith.constant 0 : index
    %get3A_3 = arith.constant 0 : index
    %get3A_4 = vector.load %arg4[%get3A_2, %get3A_3] : memref<128x1xf32, #tpu.memory_space<vmem>>, vector<128x1xf32>
    %add3A = arith.addf %get3A_1, %get3A_4 : vector<128x1xf32>
    %add3A_5 = arith.constant 1.000000e+00 : f32
    %add3A_6 = vector.broadcast %add3A_5 : f32 to vector<128x1xf32>
    %add3A_7 = arith.addf %add3A, %add3A_6 : vector<128x1xf32>
    %rsqrt3A = math.rsqrt %add3A_7 : vector<128x1xf32>
    %get3A_8 = arith.constant 0 : index
    %get3A_9 = arith.constant 0 : index
    %get3A_10 = vector.load %arg1[%get3A_8, %get3A_9] : memref<128x128xf32, #tpu.memory_space<vmem>>, vector<128x128xf32>
    %get3A_11 = arith.constant 0 : index
    %get3A_12 = arith.constant 0 : index
    %get3A_13 = vector.load %arg2[%get3A_11, %get3A_12] : memref<128x128xf32, #tpu.memory_space<vmem>>, vector<128x128xf32>
    %dot_general3A = arith.constant dense<0.000000e+00> : vector<128x128xf32>
    %dot_general3A_14 = tpu.matmul %get3A_10, %get3A_13, %dot_general3A {dimension_numbers = #tpu.dot_dimension_numbers<[1], [0], [0], [1], [0, 0, 1, 1], [], []>, transpose_lhs_hint = false} : vector<128x128xf32>, vector<128x128xf32>, vector<128x128xf32> -> vector<128x128xf32>
    %mul3A = vector.broadcast %rsqrt3A : vector<128x1xf32> to vector<128x128xf32>
    %mul3A_15 = arith.mulf %dot_general3A_14, %mul3A : vector<128x128xf32>
    %swap3A = arith.constant 0 : index
    %swap3A_16 = arith.constant 0 : index
    %swap3A_17 = vector.load %arg5[%swap3A, %swap3A_16] : memref<128x128xf32, #tpu.memory_space<vmem>>, vector<128x128xf32>
    tpu.vector_store %arg5[%swap3A, %swap3A_16], %mul3A_15 {strides = array<i32>} : memref<128x128xf32, #tpu.memory_space<vmem>>, vector<128x128xf32>,
    %swap3A_18 = arith.constant 0 : index
    %swap3A_19 = arith.constant 0 : index
    %swap3A_20 = vector.load %arg6[%swap3A_18, %swap3A_19] : memref<128x1xf32, #tpu.memory_space<vmem>>, vector<128x1xf32>
    tpu.vector_store %arg6[%swap3A_18, %swap3A_19], %rsqrt3A {strides = array<i32>} : memref<128x1xf32, #tpu.memory_space<vmem>>, vector<128x1xf32>,
    return
  }
  func.func @transform_0(%arg0: i32) -> (i32, i32) {
    %c0_i32 = arith.constant 0 : i32
    %c0_i32_0 = arith.constant 0 : i32
    return %arg0, %c0_i32 : i32, i32
  }
  func.func @transform_1(%arg0: i32) -> (i32, i32) {
    %c0_i32 = arith.constant 0 : i32
    %c0_i32_0 = arith.constant 0 : i32
    %c0_i32_1 = arith.constant 0 : i32
    return %c0_i32, %c0_i32_0 : i32, i32
  }
  func.func @transform_2(%arg0: i32) -> (i32, i32) {
    %c0_i32 = arith.constant 0 : i32
    %c0_i32_0 = arith.constant 0 : i32
    return %arg0, %c0_i32 : i32, i32
  }
  func.func @transform_3(%arg0: i32) -> (i32, i32) {
    %c0_i32 = arith.constant 0 : i32
    %c0_i32_0 = arith.constant 0 : i32
    return %arg0, %c0_i32 : i32, i32
  }
  func.func @transform_4(%arg0: i32) -> (i32, i32) {
    %c0_i32 = arith.constant 0 : i32
    %c0_i32_0 = arith.constant 0 : i32
    return %arg0, %c0_i32 : i32, i32
  }
  func.func @transform_5(%arg0: i32) -> (i32, i32) {
    %c0_i32 = arith.constant 0 : i32
    %c0_i32_0 = arith.constant 0 : i32
    return %arg0, %c0_i32 : i32, i32
  }
}

module attributes {stable_mosaic.version = 14 : i64} {
  func.func @_mid_body(%arg0: i32, %arg1: memref<1x128x128xf32, #tpu.memory_space<vmem>>, %arg2: memref<1x128x128xf32, #tpu.memory_space<vmem>>, %arg3: memref<128x128xf32, #tpu.memory_space<vmem>>, %arg4: memref<128x1xf32, #tpu.memory_space<vmem>>, %arg5: memref<1x128xf32, #tpu.memory_space<vmem>>, %arg6: memref<128x1xf32, #tpu.memory_space<vmem>>, %arg7: memref<128x1xf32, #tpu.memory_space<vmem>>) attributes {dimension_semantics = [#tpu.dimension_semantics<arbitrary>], iteration_bounds = array<i64: 80>, scalar_prefetch = 0 : i64, scratch_operands = 0 : i64, tpu.core_type = #tpu.core_type<tc>, window_params = [{transform_indices = @transform_0, window_bounds = array<i64: 1, 128, 128>}, {transform_indices = @transform_1, window_bounds = array<i64: 1, 128, 128>}, {transform_indices = @transform_2, window_bounds = array<i64: 128, 128>}, {transform_indices = @transform_3, window_bounds = array<i64: 128, 1>}, {pipeline_mode = #tpu.pipeline_mode<synchronous>, transform_indices = @transform_4, window_bounds = array<i64: 1, 128>}, {pipeline_mode = #tpu.pipeline_mode<synchronous>, transform_indices = @transform_5, window_bounds = array<i64: 128, 1>}, {transform_indices = @transform_6, window_bounds = array<i64: 128, 1>}]} {
    %get3A = arith.constant 0 : index
    %get3A_0 = arith.constant 0 : index
    %get3A_1 = vector.load %arg4[%get3A, %get3A_0] : memref<128x1xf32, #tpu.memory_space<vmem>>, vector<128x1xf32>
    %get3A_2 = arith.constant 0 : index
    %get3A_3 = arith.constant 0 : index
    %get3A_4 = arith.constant 0 : index
    %get3A_5 = vector.load %arg1[%get3A_2, %get3A_3, %get3A_4] : memref<1x128x128xf32, #tpu.memory_space<vmem>>, vector<1x128x128xf32>
    %get3A_6 = vector.shape_cast %get3A_5 : vector<1x128x128xf32> to vector<128x128xf32>
    %get3A_7 = arith.constant 0 : index
    %get3A_8 = arith.constant 0 : index
    %get3A_9 = arith.constant 0 : index
    %get3A_10 = vector.load %arg2[%get3A_7, %get3A_8, %get3A_9] : memref<1x128x128xf32, #tpu.memory_space<vmem>>, vector<1x128x128xf32>
    %get3A_11 = vector.shape_cast %get3A_10 : vector<1x128x128xf32> to vector<128x128xf32>
    %add3A = arith.addf %get3A_6, %get3A_11 : vector<128x128xf32>
    %get3A_12 = arith.constant 0 : index
    %get3A_13 = arith.constant 0 : index
    %get3A_14 = vector.load %arg3[%get3A_12, %get3A_13] : memref<128x128xf32, #tpu.memory_space<vmem>>, vector<128x128xf32>
    %sub3A = arith.subf %add3A, %get3A_14 : vector<128x128xf32>
    %mul3A = vector.broadcast %get3A_1 : vector<128x1xf32> to vector<128x128xf32>
    %mul3A_15 = arith.mulf %mul3A, %sub3A : vector<128x128xf32>
    %get3A_16 = arith.constant 0 : index
    %get3A_17 = arith.constant 0 : index
    %get3A_18 = vector.load %arg5[%get3A_16, %get3A_17] : memref<1x128xf32, #tpu.memory_space<vmem>>, vector<1x128xf32>
    %add3A_19 = vector.broadcast %get3A_18 : vector<1x128xf32> to vector<128x128xf32>
    %add3A_20 = arith.addf %mul3A_15, %add3A_19 : vector<128x128xf32>
    %max3A = arith.constant 0.000000e+00 : f32
    %max3A_21 = vector.broadcast %max3A : f32 to vector<128x128xf32>
    %max3A_22 = arith.maximumf %add3A_20, %max3A_21 : vector<128x128xf32>
    %get3A_23 = arith.constant 0 : index
    %get3A_24 = arith.constant 0 : index
    %get3A_25 = vector.load %arg6[%get3A_23, %get3A_24] : memref<128x1xf32, #tpu.memory_space<vmem>>, vector<128x1xf32>
    %dot_general3A = arith.constant dense<0.000000e+00> : vector<128x1xf32>
    %dot_general3A_26 = tpu.matmul %max3A_22, %get3A_25, %dot_general3A {dimension_numbers = #tpu.dot_dimension_numbers<[1], [0], [0], [1], [0, 0, 1, 1], [], []>, transpose_lhs_hint = false} : vector<128x128xf32>, vector<128x1xf32>, vector<128x1xf32> -> vector<128x1xf32>
    %mul3A_27 = arith.constant 128 : i32
    %mul3A_28 = arith.muli %arg0, %mul3A_27 : i32
    %iota3A = tpu.iota {dimensions = array<i32: 0>} : vector<128x1xi32>
    %add3A_29 = vector.broadcast %mul3A_28 : i32 to vector<128x1xi32>
    %add3A_30 = arith.addi %add3A_29, %iota3A : vector<128x1xi32>
    %lt3A = arith.constant 10000 : i32
    %lt3A_31 = vector.broadcast %lt3A : i32 to vector<128x1xi32>
    %lt3A_32 = arith.cmpi slt, %add3A_30, %lt3A_31 : vector<128x1xi32>
    %mul3A_33 = arith.mulf %get3A_1, %dot_general3A_26 : vector<128x1xf32>
    %jit3A = arith.constant 0.000000e+00 : f32
    %broadcast_in_dim3A = vector.broadcast %jit3A : f32 to vector<128x1xf32>
    %select_n3A = arith.select %lt3A_32, %mul3A_33, %broadcast_in_dim3A : vector<128x1xi1>, vector<128x1xf32>
    %swap3A = arith.constant 0 : index
    %swap3A_34 = arith.constant 0 : index
    %swap3A_35 = vector.load %arg7[%swap3A, %swap3A_34] : memref<128x1xf32, #tpu.memory_space<vmem>>, vector<128x1xf32>
    tpu.vector_store %arg7[%swap3A, %swap3A_34], %select_n3A {strides = array<i32>} : memref<128x1xf32, #tpu.memory_space<vmem>>, vector<128x1xf32>,
    return
  }
  func.func @transform_0(%arg0: i32) -> (i32, i32, i32) {
    %c0_i32 = arith.constant 0 : i32
    %c0_i32_0 = arith.constant 0 : i32
    %c0_i32_1 = arith.constant 0 : i32
    return %c0_i32, %arg0, %c0_i32_0 : i32, i32, i32
  }
  func.func @transform_1(%arg0: i32) -> (i32, i32, i32) {
    %c1_i32 = arith.constant 1 : i32
    %c0_i32 = arith.constant 0 : i32
    %c0_i32_0 = arith.constant 0 : i32
    return %c1_i32, %arg0, %c0_i32 : i32, i32, i32
  }
  func.func @transform_2(%arg0: i32) -> (i32, i32) {
    %c0_i32 = arith.constant 0 : i32
    %c0_i32_0 = arith.constant 0 : i32
    return %arg0, %c0_i32 : i32, i32
  }
  func.func @transform_3(%arg0: i32) -> (i32, i32) {
    %c0_i32 = arith.constant 0 : i32
    %c0_i32_0 = arith.constant 0 : i32
    return %arg0, %c0_i32 : i32, i32
  }
  func.func @transform_4(%arg0: i32) -> (i32, i32) {
    %c0_i32 = arith.constant 0 : i32
    %c0_i32_0 = arith.constant 0 : i32
    %c0_i32_1 = arith.constant 0 : i32
    return %c0_i32, %c0_i32_0 : i32, i32
  }
  func.func @transform_5(%arg0: i32) -> (i32, i32) {
    %c0_i32 = arith.constant 0 : i32
    %c0_i32_0 = arith.constant 0 : i32
    %c0_i32_1 = arith.constant 0 : i32
    return %c0_i32, %c0_i32_0 : i32, i32
  }
  func.func @transform_6(%arg0: i32) -> (i32, i32) {
    %c0_i32 = arith.constant 0 : i32
    %c0_i32_0 = arith.constant 0 : i32
    return %arg0, %c0_i32 : i32, i32
  }
}

module attributes {stable_mosaic.version = 14 : i64} {
  func.func @_fin_body(%arg0: memref<80x128xf32, #tpu.memory_space<vmem>>, %arg1: memref<80x128xf32, #tpu.memory_space<vmem>>, %arg2: memref<80x128xf32, #tpu.memory_space<vmem>>, %arg3: memref<80x128xf32, #tpu.memory_space<vmem>>, %arg4: memref<1x1xf32, #tpu.memory_space<vmem>>, %arg5: memref<80x128xf32, #tpu.memory_space<vmem>>) attributes {dimension_semantics = [], scalar_prefetch = 0 : i64, scratch_operands = 0 : i64, tpu.core_type = #tpu.core_type<tc>} {
    %get3A = arith.constant 0 : index
    %get3A_0 = arith.constant 0 : index
    %get3A_1 = vector.load %arg3[%get3A, %get3A_0] : memref<80x128xf32, #tpu.memory_space<vmem>>, vector<80x128xf32>
    %get3A_2 = arith.constant 0 : index
    %get3A_3 = arith.constant 0 : index
    %get3A_4 = vector.load %arg0[%get3A_2, %get3A_3] : memref<80x128xf32, #tpu.memory_space<vmem>>, vector<80x128xf32>
    %get3A_5 = arith.constant 0 : index
    %get3A_6 = arith.constant 0 : index
    %get3A_7 = vector.load %arg1[%get3A_5, %get3A_6] : memref<80x128xf32, #tpu.memory_space<vmem>>, vector<80x128xf32>
    %add3A = arith.addf %get3A_4, %get3A_7 : vector<80x128xf32>
    %get3A_8 = arith.constant 0 : index
    %get3A_9 = arith.constant 0 : index
    %get3A_10 = vector.load %arg2[%get3A_8, %get3A_9] : memref<80x128xf32, #tpu.memory_space<vmem>>, vector<80x128xf32>
    %add3A_11 = arith.addf %add3A, %get3A_10 : vector<80x128xf32>
    %mul3A = arith.mulf %get3A_1, %add3A_11 : vector<80x128xf32>
    %get3A_12 = arith.constant 0 : index
    %get3A_13 = arith.constant 0 : index
    %get3A_14 = vector.load %arg4[%get3A_12, %get3A_13] : memref<1x1xf32, #tpu.memory_space<vmem>>, vector<1x1xf32>
    %add3A_15 = vector.broadcast %get3A_14 : vector<1x1xf32> to vector<80x128xf32>
    %add3A_16 = arith.addf %mul3A, %add3A_15 : vector<80x128xf32>
    %swap3A = arith.constant 0 : index
    %swap3A_17 = arith.constant 0 : index
    %swap3A_18 = vector.load %arg5[%swap3A, %swap3A_17] : memref<80x128xf32, #tpu.memory_space<vmem>>, vector<80x128xf32>
    tpu.vector_store %arg5[%swap3A, %swap3A_17], %add3A_16 {strides = array<i32>} : memref<80x128xf32, #tpu.memory_space<vmem>>, vector<80x128xf32>,
    return
  }
}

</mosaic_0001>

<sc_bundles>
// kernel: kernel.11.cloned.1.call-start
scs
__scs_entry_jumppad:
0x0: {  	(pc) =	sbr.rel $0x88, $3  }
0x1: {  	(tag) =	ssettag $0x0;
	lr =	simm.s32 $0x1  }
0x2: {  	[smem:$0x3F9B] =	sst lr;
	_ =	strace $0xD0000000  }
0x3: {  	_ = 	snop  }
0x4: {  	_ = 	snop  }
0x5: {  	_ = 	snop  }
0x6: {  	_ = 	snop  }
0x7: {  	_ = 	snop  }
__scs_overlays_trampoline_lowered:
0x8: {  	[smem:$0x3FAA] =	sst s0  }
0x9: {  	[smem:$0x3FAB] =	sst s1  }
0xa: {  	[smem:$0x3FAC] =	sst s2  }
0xb: {  	[smem:$0x3FAD] =	sst s3  }
0xc: {  	[smem:$0x3FAE] =	sst s4  }
0xd: {  	[smem:$0x3FAF] =	sst s5  }
0xe: {  	[smem:$0x3FB0] =	sst s6  }
0xf: {  	[smem:$0x3FB1] =	sst s7  }
0x10: {  	[smem:$0x3FB2] =	sst s8  }
0x11: {  	[smem:$0x3FB3] =	sst s9;
	s0 =	simm.s32 @!p0 $0x0  }
0x12: {  	s1 =	sld [smem:$0x3F99];
	s0 =	simm.s32 @p0 $0x1  }
0x13: {  	[smem:$0x3FB4] =	sst s0;
	s0 =	simm.s32 @!p1 $0x0  }
0x14: {  	s2 =	sld [smem:$0x3F98];
	s0 =	simm.s32 @p1 $0x1  }
0x15: {  	[smem:$0x3FB5] =	sst s0;
	s0 =	simm.s32 @!p2 $0x0  }
0x16: {  	s3 =	sld [smem:$0x3FDB];
	s0 =	simm.s32 @p2 $0x1  }
0x17: {  	s4 =	simm.s32 $0x1BF5;
	[smem:$0x3FB7] =	sst s0  }
0x18: {  	s0 =	sld [smem:$0x3F9A];
	_ =	swait.ge [sflag:s4], $0x0  }
0x19: {  	s7 =	sld [smem:$0x3F9B]  }
0x1a: {  	s8 =	sadd.s32 $0xFFFFE003, lr  }
0x1b: {  	s9 =	sadd.s32 $0xFFFFFEF7, lr;
	s5 =	simm.s32 $0xFFFFFFFF;
	p2 =	slt.u32 s8, $0xFFFFF086  }
0x1c: {  	p1 =	slt.u32 s9, $0xF7A;
	s5 =	simm.s32 @!p2 $0x0  }
0x1d: {  	s5 =	simm.s32 @p1 $0x1;
	p0 =	seq.s32 s7, s2  }
0x1e: {  	s7 =	smul.u32 @!p0 $0xF7A, s2;
	p2 =	seq.s32 @!p0 s5, $0x0  }
0x1f: {  	s9 =	smul.u32 $0xF7A, s1;
	s8 =	simm.s32 @!p0 $0x1BF5;
	p2 =	por !p2, p0  }
0x20: {  	[sflag:s8] =	ssyncset.s32 @!p0 $0xFFFFF086;
	s6 =	sadd.s32 @!p0 s3, s7;
	s7 =	simm.s32 @!p0 $0x108  }
0x21: {  	s3 =	sadd.s32 s3, s9;
	s6 =	sadd.s32 @!p0 $0x88, s6;
	s7 =	simm.s32 @p2 $0x1082  }
0x22: {  	[simem:s7], [sflag:s8] =	dma.local @!p0 [hbm:s6], $0xF7A  }
0x23: {  	s9 =	sor.u32 $0xD0000000, s2;
	s6 =	simm.s32 $0x108;
	_ =	swait.ge @!p0 [sflag:s8], $0x0  }
0x24: {  	s3 =	sadd.s32 $0x88, s3;
	s6 =	simm.s32 @!p1 $0x1082;
	[sflag:s4] =	ssyncset.s32 $0xFFFFF086  }
0x25: {  	[simem:s6], [sflag:s4] =	dma.local [hbm:s3], $0xF7A  }
0x26: {  	[smem:$0x3F9B] =	sst s1;
	(tag) =	ssettag s2;
	_ =	strace s9  }
0x27: {  	s1 =	sld [smem:$0x3FAB]  }
0x28: {  	s2 =	sld [smem:$0x3FAC]  }
0x29: {  	s4 =	sld [smem:$0x3FAE]  }
0x2a: {  	p0 =	seq.s32 s5, $0x0;
	s5 =	sld [smem:$0x3FAF]  }
0x2b: {  	s6 =	sld [smem:$0x3FB0]  }
0x2c: {  	s7 =	sld [smem:$0x3FB1]  }
0x2d: {  	s3 =	simm.s32 $0x108;
	s8 =	sld [smem:$0x3FB2]  }
0x2e: {  	s3 =	simm.s32 @!p0 $0x1082;
	s9 =	sld [smem:$0x3FB3]  }
0x2f: {  	lr =	sadd.s32 s0, s3;
	s0 =	sld [smem:$0x3FAA]  }
0x30: {  	s3 =	sld [smem:$0x3FAD]  }
0x31: {  	[smem:$0x3FB6] =	sst s10  }
0x32: {  	s10 =	sld [smem:$0x3FB4];
	_ =	sdelay $0x3  }
0x33: {  	p0 =	seq.s32 s10, $0x1;
	s10 =	sld [smem:$0x3FB6];
	_ =	sdelay $0x3  }
0x34: {  	[smem:$0x3FB6] =	sst s10  }
0x35: {  	s10 =	sld [smem:$0x3FB5];
	_ =	sdelay $0x3  }
0x36: {  	p1 =	seq.s32 s10, $0x1;
	s10 =	sld [smem:$0x3FB6];
	_ =	sdelay $0x3  }
0x37: {  	[smem:$0x3FB6] =	sst s10  }
0x38: {  	s10 =	sld [smem:$0x3FB7]  }
0x39: {  	_ = 	snop;
	(pc) =	sbr.ind lr, $3  }
0x3a: {  	_ = 	snop  }
0x3b: {  	_ = 	snop  }
0x3c: {  	p2 =	seq.s32 s10, $0x1;
	s10 =	sld [smem:$0x3FB6]  }
0x3d: {  	_ =	shalt  }
0x3e: {  	_ =	shalt  }
0x3f: {  	_ =	shalt  }
0x40: {  	_ =	shalt  }
0x41: {  	_ =	shalt  }
0x42: {  	_ =	shalt  }
0x43: {  	_ =	shalt  }
0x44: {  	_ =	shalt  }
0x45: {  	_ =	shalt  }
0x46: {  	_ =	shalt  }
0x47: {  	_ =	shalt  }
0x48: {  	_ =	shalt  }
0x49: {  	_ =	shalt  }
0x4a: {  	_ =	shalt  }
0x4b: {  	_ =	shalt  }
0x4c: {  	_ =	shalt  }
0x4d: {  	_ =	shalt  }
0x4e: {  	_ =	shalt  }
0x4f: {  	_ =	shalt  }
0x50: {  	_ =	shalt  }
0x51: {  	_ =	shalt  }
0x52: {  	_ =	shalt  }
0x53: {  	_ =	shalt  }
0x54: {  	_ =	shalt  }
0x55: {  	_ =	shalt  }
0x56: {  	_ =	shalt  }
0x57: {  	_ =	shalt  }
0x58: {  	_ =	shalt  }
0x59: {  	_ =	shalt  }
0x5a: {  	_ =	shalt  }
0x5b: {  	_ =	shalt  }
0x5c: {  	_ =	shalt  }
0x5d: {  	_ =	shalt  }
0x5e: {  	_ =	shalt  }
0x5f: {  	_ =	shalt  }
0x60: {  	_ =	shalt  }
0x61: {  	_ =	shalt  }
0x62: {  	_ =	shalt  }
0x63: {  	_ =	shalt  }
0x64: {  	_ =	shalt  }
0x65: {  	_ =	shalt  }
0x66: {  	_ =	shalt  }
0x67: {  	_ =	shalt  }
0x68: {  	_ =	shalt  }
0x69: {  	_ =	shalt  }
0x6a: {  	_ =	shalt  }
0x6b: {  	_ =	shalt  }
0x6c: {  	_ =	shalt  }
0x6d: {  	_ =	shalt  }
0x6e: {  	_ =	shalt  }
0x6f: {  	_ =	shalt  }
0x70: {  	_ =	shalt  }
0x71: {  	_ =	shalt  }
0x72: {  	_ =	shalt  }
0x73: {  	_ =	shalt  }
0x74: {  	_ =	shalt  }
0x75: {  	_ =	shalt  }
0x76: {  	_ =	shalt  }
0x77: {  	_ =	shalt  }
0x78: {  	_ =	shalt  }
0x79: {  	_ =	shalt  }
0x7a: {  	_ =	shalt  }
0x7b: {  	_ =	shalt  }
0x7c: {  	_ =	shalt  }
0x7d: {  	_ =	shalt  }
0x7e: {  	_ =	shalt  }
0x7f: {  	_ =	shalt  }
0x80: {  	_ =	shalt  }
0x81: {  	_ =	shalt  }
0x82: {  	_ =	shalt  }
0x83: {  	_ =	shalt  }
0x84: {  	_ =	shalt  }
0x85: {  	_ =	shalt  }
0x86: {  	_ =	shalt  }
0x87: {  	_ =	shalt  }
.Lfunc_end0:
.L_simem_size_0:
called_computation.1_lowered:
.L_overlay_start_0:
0x88: {  	s2 =	sld [smem:$0x3FD9]  }
0x89: {  	s3 =	sld [smem:$0x3FFE];
	_ =	sdelay $0x1  }
0x8a: {  	s1 =	srdreg.scid  }
0x8b: {  	s0 =	sand.u32 $0x1, s1  }
0x8c: {  	s16 =	sshll.u32 s0, $0xA;
	s2 =	sadd.s32 s3, s2  }
0x8d: {  	s2 =	sadd.s32 s2, s16  }
0x8e: {  	[smem:$0x3FC2] =	sst s2  }
0x8f: {  	_ = 	snop  }
0x90: {  	(tm) =	ssettm $0x1  }
0x91: {  	s17 =	sld [smem:$0x3FFB];
	_ =	sdelay $0x3  }
0x92: {  	_ =	strace s17  }
0x93: {  	s2 =	sld [smem:$0x3FFC];
	_ =	sdelay $0x3  }
0x94: {  	_ =	strace s2  }
0x95: {  	s2 =	sld [smem:$0x3FFD];
	_ =	sdelay $0x3  }
0x96: {  	_ =	strace s2  }
0x97: {  	_ =	strace $0x8FFFFFFF  }
0x98: {  	s18 =	sld [smem:$0x3FDB];
	_ =	sdelay $0x1  }
0x99: {  	s19 =	simm.s32 $_scs_section_size  }
0x9a: {  	s4 =	simm.s32 $_size__tile_overlayer_lowered;
	s5 =	simm.s32 $_tile_overlayer_lowered  }
0x9b: {  	s22 =	simm.s32 $0x1BFF;
	s21 =	sshll.u32 s5, $0x1;
	s2 =	sadd.s32 s19, s18  }
0x9c: {  	s6 =	simm.s32 $0x0;
	s20 =	sshll.u32 s4, $0x1;
	s4 =	sadd.s32 s21, s2  }
0x9d: {  	[timem:s6], [sflag:s22] =	dma.local [hbm:s4], s20  }
0x9e: {  	_ =	swait.ge [sflag:s22], s20  }
0x9f: {  	s3 =	ssub.s32 $0x0, s20;
	[sflag:s22] =	ssyncset.done $0x0  }
0xa0: {  	[sflag:s22] =	ssyncadd.s32 s3;
	_ =	sdelay $0x1  }
0xa1: {  	s23 =	simm.s32 $0x1B8B  }
0xa2: {  	_ =	swait.ge [sflag:s23], $0x1  }
0xa3: {  	[sflag:s23] =	ssyncset.done $0x0  }
0xa4: {  	s25 =	simm.s32 $0x1B8E;
	s24 =	sld [smem:$0x3FFE];
	[sflag:s23] =	ssyncadd.s32 $0xFFFFFFFF  }
0xa5: {  	s26 =	simm.s32 $execute0_lowered;
	[smem:$0x3FD2] =	sst s25  }
0xa6: {  	s4 =	sshll.u32 s26, $0x1;
	_ =	strace $0x80000049;
	[dreg:$0x1] =	wrdreg $0xFFFFFFFF  }
0xa7: {  	s28 =	simm.s32 $_size_execute0_lowered;
	s2 =	sadd.s32 s2, s4;
	[dreg:$0x0] =	wrdreg $0x0  }
0xa8: {  	s4 =	sshll.u32 s28, $0x1;
	[dreg:$0x2] =	wrdreg s2  }
0xa9: {  	[dreg:$0x3] =	wrdreg s4  }
0xaa: {  	[dreg:$0x4] =	wrdreg $0xC0  }
0xab: {  	_ =	task [dreg:s6], $0x5FFFF  }
0xac: {  	[dreg:$0x1] =	wrdreg $0xFFFFFFFF  }
0xad: {  	[dreg:$0x0] =	wrdreg $0x60  }
0xae: {  	[dreg:$0x2] =	wrdreg s24  }
0xaf: {  	[dreg:$0x3] =	wrdreg $0xA8000  }
0xb0: {  	[dreg:$0x4] =	wrdreg $0x9  }
0xb1: {  	_ =	task.clear_ibuf [dreg:s6], $0x5FFFF;
	_ =	strace $0x90000049  }
0xb2: {  	s29 =	simm.s32 $0x9;
	_ =	strace $0x8000004B  }
0xb3: {  	_ =	swait.ge [sflag:s29], $0x1  }
0xb4: {  	[sflag:s29] =	ssyncadd.s32 $0xFFFFFFFF  }
0xb5: {  	_ =	strace $0x9000004B  }
0xb6: {  	_ =	sfence  }
0xb7: {  	s30 =	sld [smem:$0x0];
	_ =	sdelay $0x2  }
0xb8: {  	s31 =	sshll.u32 s1, $0xD;
	s1 =	sshrl.u32 s1, $0x2  }
0xb9: {  	s3 =	sand.u32 $0x4000, s31;
	s1 =	sadd.s32 s1, s30  }
0xba: {  	s0 =	sor.u32 s3, s0;
	s1 =	sshll.u32 s1, $0x11  }
0xbb: {  	s0 =	sor.u32 s1, s0  }
0xbc: {  	s0 =	sadd.s32 $0x8F2B, s0  }
0xbd: {  	[sflag:s0] =	ssyncadd.remote.s32 $0x1  }
0xbe: {  	_ =	sfence.sel $0xFFFF  }
0xbf: {  	[dreg:$0x0] =	wrdreg $0xFFFFFFFF;
	(pc) =	sbr.abs _section_cstart, $3  }
0xc0: {  	[dreg:$0x1] =	wrdreg $0xFFFFFFFF  }
0xc1: {  	_ =	task.clear_ibuf [dreg:s6], $0x2FFFF;
	_ =	strace $0x9FFFFFFF  }
0xc2: {  	(tm) =	ssettm $0x7FFFFFFF  }
0xc3: {  	_ =	shalt  }
tec
execute0_lowered:
.L_overlay_start_1:
0x0: {  	(tag) =	ssettag $0x1  }
0x1: {  	s5 =	rddreg [dreg:$0x0];
	s1 =	srdreg.scid  }
0x2: {  	s0 =	stileid.u32;
	s2 =	rddreg [dreg:$0x1]  }
0x3: {  	s3 =	simm.s32 $0x0;
	s16 =	simm.s32 $0x80;
	s17 =	simm.s32 $0x2800  }
0x4: {  	s18 =	simm.s32 $0x1;
	s19 =	simm.s32 $0x6800;
	s20 =	simm.s32 $0x2  }
0x5: {  	s21 =	simm.s32 $0x3;
	s22 =	simm.s32 $0x4;
	s23 =	simm.s32 $0x2780  }
0x6: {  	s24 =	simm.s32 $0x0;
	s6 =	sand.u32 $0x1, s1;
	s1 =	rddreg [dreg:$0x2]  }
0x7: {  	s7 =	smul.u32 $0x14000, s0;
	[smem:$0x7FF] =	sst s3;
	s4 =	sadd.s32 $0x15A00, s5  }
0x8: {  	s11 =	sadd.s32 $0x1A00, s5;
	s9 =	smul.u32 $0x50000, s0;
	s12 =	sadd.s32 $0xBA00, s5  }
0x9: {  	s31 =	sshll.u32 s0, $0x6;
	s8 =	smul.u32 $0x140000, s6;
	s28 =	ssub.s32 $0x2, s6  }
0xa: {  	_ =	strace $0x8000004A;
	s6 =	sshll.u32 s6, $0x4;
	s10 =	sshrl.u32 s28, $0x1  }
0xb: {  	s9 =	sshrl.u32 s9, $0x2;
	s29 =	sor.u32 s0, s6;
	s30 =	sshrl.u32 s7, $0x3  }
0xc: {  	s6 =	sor.u32 $0x1C05, s31;
	s8 =	sadd.s32 s7, s8;
	s10 =	ssub.s32 s28, s10  }
0xd: {  	s13 =	sadd.s32 s9, s2;
	s14 =	smul.u32 $0x500, s29;
	s8 =	sshrl.u32 s8, $0x3  }
0xe: {  	s13 =	sshrl.u32 s13, $0x3;
	s8 =	sadd.s32 s8, s5;
	s5 =	sadd.s32 s4, s30  }
0xf: {  	s9 =	sadd.s32 s11, s14;
	s15 =	sadd.s32 $0x280, s14;
	s7 =	sadd.s32 $0x3DA00, s8  }
0x10: {  	s8 =	smax.u32 s10, $0x1;
	s10 =	sadd.s32 s12, s14;
	s11 =	sadd.s32 s11, s15  }
0x11: {  	s12 =	sadd.s32 s12, s15;
	s14 =	simm.s32 $0x5;
	s15 =	simm.s32 $0x1400  }
.LBB2_1:
0x12: {  	[spmem:s13], [sflag:s6] =	dma.local [hbm:s5], $0x2800  }
0x13: {  	_ =	swait.ge [sflag:s14], $0x2800  }
0x14: {  	[sflag:s14] =	ssyncset.done $0x0  }
0x15: {  	[sflag:s14] =	ssyncadd.s32 $0xFFFFD800  }
0x16: {  	[bflag:$0x0] =	sbarrier.arrive $0xFFFF  }
0x17: {  	[tilespmem:s3], [sflag:$0x5] =	stream.linear.gather [hbm4b:s9+s3], $0x1400, $0x38;
	[tilespmem:$0x1E800] =	vst v63  }
0x18: {  	_ =	swait.ge [sflag:s14], $0x1400  }
0x19: {  	[sflag:s14] =	ssyncset.done $0x0  }
0x1a: {  	[sflag:s14] =	ssyncadd.s32 $0xFFFFEC00  }
0x1b: {  	[tilespmem:s15], [sflag:$0x5] =	stream.linear.gather [hbm4b:s10+s3], $0x1400, $0x38;
	[tilespmem:$0x1E800] =	vst v63  }
0x1c: {  	_ =	swait.ge [sflag:s14], $0x1400  }
0x1d: {  	[sflag:s14] =	ssyncset.done $0x0  }
0x1e: {  	[sflag:s14] =	ssyncadd.s32 $0xFFFFEC00  }
0x1f: {  	[tilespmem:s17], [sflag:$0x1] =	stream.indirect.gather [hbm4b:s4+s16], $0x80, s3, s16, $0xb8;
	[tilespmem:$0x1E800] =	vst v63  }
0x20: {  	_ =	swait.ge [sflag:s18], $0x4000  }
0x21: {  	[sflag:s18] =	ssyncset.done $0x0  }
0x22: {  	[sflag:s18] =	ssyncadd.s32 $0xFFFFC000  }
0x23: {  	[tilespmem:s19], [sflag:$0x2] =	stream.indirect.gather [hbm4b:s4+s16], $0x80, s16, s16, $0xb8;
	[tilespmem:$0x1E800] =	vst v63  }
0x24: {  	_ = 	snop  }
0x25: {  	[spmem:s2] =	stream.indirect.scatter.add.f32 [tilespmem:s17], [sflag:$0x3], $0x80, s15, s16, $0xb8;
	[tilespmem:$0x1E800] =	vst v63  }
0x26: {  	_ =	swait.ge [sflag:s20], $0x4000  }
0x27: {  	[sflag:s20] =	ssyncset.done $0x0  }
0x28: {  	s25 =	simm.s32 $0x1480;
	[sflag:s20] =	ssyncadd.s32 $0xFFFFC000  }
0x29: {  	[spmem:s2] =	stream.indirect.scatter.add.f32 [tilespmem:s19], [sflag:$0x4], $0x80, s25, s16, $0xb8;
	[tilespmem:$0x1E800] =	vst v63  }
0x2a: {  	_ =	swait.ge [sflag:s21], $0x4000  }
0x2b: {  	[sflag:s21] =	ssyncset.done $0x0  }
0x2c: {  	s30 =	simm.s32 $0x100;
	[sflag:s21] =	ssyncadd.s32 $0xFFFFC000  }
0x2d: {  	[tilespmem:s17], [sflag:$0x1] =	stream.indirect.gather [hbm4b:s4+s16], $0x80, s30, s16, $0xb8;
	[tilespmem:$0x1E800] =	vst v63  }
0x2e: {  	_ =	swait.ge [sflag:s18], $0x4000  }
0x2f: {  	[sflag:s18] =	ssyncset.done $0x0  }
0x30: {  	s31 =	simm.s32 $0x1500;
	[sflag:s18] =	ssyncadd.s32 $0xFFFFC000  }
0x31: {  	[spmem:s2] =	stream.indirect.scatter.add.f32 [tilespmem:s17], [sflag:$0x3], $0x80, s31, s16, $0xb8;
	[tilespmem:$0x1E800] =	vst v63  }
0x32: {  	_ =	swait.ge [sflag:s22], $0x4000  }
0x33: {  	[sflag:s22] =	ssyncset.done $0x0  }
0x34: {  	s26 =	simm.s32 $0x180;
	s25 =	simm.s32 $0xFFFFB800;
	[sflag:s22] =	ssyncadd.s32 $0xFFFFC000  }
.LBB2_2:
0x35: {  	[tilespmem:s19], [sflag:$0x2] =	stream.indirect.gather [hbm4b:s4+s16], $0x80, s26, s16, $0xb8;
	[tilespmem:$0x1E800] =	vst v63  }
0x36: {  	s26 =	smov.u32 s25  }
0x37: {  	p0 =	sne.s32 s25, $0xFFFFFC00;
	s25 =	sadd.s32 $0x400, s25;
	_ =	swait.ge [sflag:s20], $0x4000  }
0x38: {  	s26 =	sshra.s32 s26, $0x2;
	[sflag:s20] =	ssyncset.done $0x0  }
0x39: {  	s28 =	sadd.s32 $0x2780, s26;
	[sflag:s20] =	ssyncadd.s32 $0xFFFFC000  }
0x3a: {  	[spmem:s2] =	stream.indirect.scatter.add.f32 [tilespmem:s19], [sflag:$0x4], $0x80, s28, s16, $0xb8;
	[tilespmem:$0x1E800] =	vst v63  }
0x3b: {  	_ =	swait.ge [sflag:s21], $0x4000  }
0x3c: {  	[sflag:s21] =	ssyncset.done $0x0  }
0x3d: {  	s28 =	sadd.s32 $0x1400, s26;
	[sflag:s21] =	ssyncadd.s32 $0xFFFFC000  }
0x3e: {  	[tilespmem:s17], [sflag:$0x1] =	stream.indirect.gather [hbm4b:s4+s16], $0x80, s28, s16, $0xb8;
	[tilespmem:$0x1E800] =	vst v63  }
0x3f: {  	_ =	swait.ge [sflag:s18], $0x4000  }
0x40: {  	[sflag:s18] =	ssyncset.done $0x0  }
.Ltmp0:
0x41: {  	s28 =	sadd.s32 $0x2800, s26;
	[sflag:s18] =	ssyncadd.s32 $0xFFFFC000;
	(pc) =	sbr.rel @p0 .LBB2_2-.Ltmp0, $4  }
0x42: {  	[spmem:s2] =	stream.indirect.scatter.add.f32 [tilespmem:s17], [sflag:$0x3], $0x80, s28, s16, $0xb8;
	[tilespmem:$0x1E800] =	vst v63  }
0x43: {  	_ =	swait.ge [sflag:s22], $0x4000  }
0x44: {  	[sflag:s22] =	ssyncset.done $0x0  }
0x45: {  	s26 =	sadd.s32 $0x1480, s26;
	[sflag:s22] =	ssyncadd.s32 $0xFFFFC000  }
0x46: {  	[tilespmem:s19], [sflag:$0x2] =	stream.indirect.gather [hbm4b:s4+s16], $0x80, s26, s16, $0xb8;
	[tilespmem:$0x1E800] =	vst v63  }
0x47: {  	_ =	swait.ge [sflag:s20], $0x4000  }
0x48: {  	[sflag:s20] =	ssyncset.done $0x0  }
0x49: {  	[sflag:s20] =	ssyncadd.s32 $0xFFFFC000  }
0x4a: {  	[spmem:s2] =	stream.indirect.scatter.add.f32 [tilespmem:s19], [sflag:$0x4], $0x80, s23, s16, $0xb8;
	[tilespmem:$0x1E800] =	vst v63  }
0x4b: {  	_ =	swait.ge [sflag:s21], $0x4000  }
0x4c: {  	[sflag:s21] =	ssyncset.done $0x0  }
0x4d: {  	[sflag:s21] =	ssyncadd.s32 $0xFFFFC000  }
0x4e: {  	_ =	swait.ge [sflag:s22], $0x4000  }
0x4f: {  	[sflag:s22] =	ssyncset.done $0x0  }
0x50: {  	[sflag:s22] =	ssyncadd.s32 $0xFFFFC000  }
0x51: {  	[tilespmem:s3], [sflag:$0x5] =	stream.linear.gather [hbm4b:s11+s3], $0x1400, $0x38;
	[tilespmem:$0x1E800] =	vst v63  }
0x52: {  	_ =	swait.ge [sflag:s14], $0x1400  }
0x53: {  	[sflag:s14] =	ssyncset.done $0x0  }
0x54: {  	[sflag:s14] =	ssyncadd.s32 $0xFFFFEC00  }
0x55: {  	[tilespmem:s15], [sflag:$0x5] =	stream.linear.gather [hbm4b:s12+s3], $0x1400, $0x38;
	[tilespmem:$0x1E800] =	vst v63  }
0x56: {  	_ =	swait.ge [sflag:s14], $0x1400  }
0x57: {  	[sflag:s14] =	ssyncset.done $0x0  }
0x58: {  	[sflag:s14] =	ssyncadd.s32 $0xFFFFEC00  }
0x59: {  	[tilespmem:s17], [sflag:$0x1] =	stream.indirect.gather [hbm4b:s4+s16], $0x80, s3, s16, $0xb8;
	[tilespmem:$0x1E800] =	vst v63  }
0x5a: {  	_ =	swait.ge [sflag:s18], $0x4000  }
0x5b: {  	[sflag:s18] =	ssyncset.done $0x0  }
0x5c: {  	[sflag:s18] =	ssyncadd.s32 $0xFFFFC000  }
0x5d: {  	[tilespmem:s19], [sflag:$0x2] =	stream.indirect.gather [hbm4b:s4+s16], $0x80, s16, s16, $0xb8;
	[tilespmem:$0x1E800] =	vst v63  }
0x5e: {  	_ = 	snop  }
0x5f: {  	[spmem:s2] =	stream.indirect.scatter.add.f32 [tilespmem:s17], [sflag:$0x3], $0x80, s15, s16, $0xb8;
	[tilespmem:$0x1E800] =	vst v63  }
0x60: {  	_ =	swait.ge [sflag:s20], $0x4000  }
0x61: {  	[sflag:s20] =	ssyncset.done $0x0  }
0x62: {  	s25 =	simm.s32 $0x1480;
	[sflag:s20] =	ssyncadd.s32 $0xFFFFC000  }
0x63: {  	[spmem:s2] =	stream.indirect.scatter.add.f32 [tilespmem:s19], [sflag:$0x4], $0x80, s25, s16, $0xb8;
	[tilespmem:$0x1E800] =	vst v63  }
0x64: {  	_ =	swait.ge [sflag:s21], $0x4000  }
0x65: {  	[sflag:s21] =	ssyncset.done $0x0  }
0x66: {  	s30 =	simm.s32 $0x100;
	[sflag:s21] =	ssyncadd.s32 $0xFFFFC000  }
0x67: {  	[tilespmem:s17], [sflag:$0x1] =	stream.indirect.gather [hbm4b:s4+s16], $0x80, s30, s16, $0xb8;
	[tilespmem:$0x1E800] =	vst v63  }
0x68: {  	_ =	swait.ge [sflag:s18], $0x4000  }
0x69: {  	[sflag:s18] =	ssyncset.done $0x0  }
0x6a: {  	s31 =	simm.s32 $0x1500;
	[sflag:s18] =	ssyncadd.s32 $0xFFFFC000  }
0x6b: {  	[spmem:s2] =	stream.indirect.scatter.add.f32 [tilespmem:s17], [sflag:$0x3], $0x80, s31, s16, $0xb8;
	[tilespmem:$0x1E800] =	vst v63  }
0x6c: {  	_ =	swait.ge [sflag:s22], $0x4000  }
0x6d: {  	[sflag:s22] =	ssyncset.done $0x0  }
0x6e: {  	s26 =	simm.s32 $0x180;
	s25 =	simm.s32 $0xFFFFB800;
	[sflag:s22] =	ssyncadd.s32 $0xFFFFC000  }
.LBB2_4:
0x6f: {  	[tilespmem:s19], [sflag:$0x2] =	stream.indirect.gather [hbm4b:s4+s16], $0x80, s26, s16, $0xb8;
	[tilespmem:$0x1E800] =	vst v63  }
0x70: {  	s26 =	smov.u32 s25  }
0x71: {  	p0 =	sne.s32 s25, $0xFFFFFC00;
	s25 =	sadd.s32 $0x400, s25;
	_ =	swait.ge [sflag:s20], $0x4000  }
0x72: {  	s26 =	sshra.s32 s26, $0x2;
	[sflag:s20] =	ssyncset.done $0x0  }
0x73: {  	s28 =	sadd.s32 $0x2780, s26;
	[sflag:s20] =	ssyncadd.s32 $0xFFFFC000  }
0x74: {  	[spmem:s2] =	stream.indirect.scatter.add.f32 [tilespmem:s19], [sflag:$0x4], $0x80, s28, s16, $0xb8;
	[tilespmem:$0x1E800] =	vst v63  }
0x75: {  	_ =	swait.ge [sflag:s21], $0x4000  }
0x76: {  	[sflag:s21] =	ssyncset.done $0x0  }
0x77: {  	s28 =	sadd.s32 $0x1400, s26;
	[sflag:s21] =	ssyncadd.s32 $0xFFFFC000  }
0x78: {  	[tilespmem:s17], [sflag:$0x1] =	stream.indirect.gather [hbm4b:s4+s16], $0x80, s28, s16, $0xb8;
	[tilespmem:$0x1E800] =	vst v63  }
0x79: {  	_ =	swait.ge [sflag:s18], $0x4000  }
0x7a: {  	[sflag:s18] =	ssyncset.done $0x0  }
.Ltmp1:
0x7b: {  	s28 =	sadd.s32 $0x2800, s26;
	[sflag:s18] =	ssyncadd.s32 $0xFFFFC000;
	(pc) =	sbr.rel @p0 .LBB2_4-.Ltmp1, $4  }
0x7c: {  	[spmem:s2] =	stream.indirect.scatter.add.f32 [tilespmem:s17], [sflag:$0x3], $0x80, s28, s16, $0xb8;
	[tilespmem:$0x1E800] =	vst v63  }
0x7d: {  	_ =	swait.ge [sflag:s22], $0x4000  }
0x7e: {  	[sflag:s22] =	ssyncset.done $0x0  }
0x7f: {  	s26 =	sadd.s32 $0x1480, s26;
	[sflag:s22] =	ssyncadd.s32 $0xFFFFC000  }
0x80: {  	[tilespmem:s19], [sflag:$0x2] =	stream.indirect.gather [hbm4b:s4+s16], $0x80, s26, s16, $0xb8;
	[tilespmem:$0x1E800] =	vst v63  }
0x81: {  	_ =	swait.ge [sflag:s20], $0x4000  }
0x82: {  	[sflag:s20] =	ssyncset.done $0x0  }
0x83: {  	[sflag:s20] =	ssyncadd.s32 $0xFFFFC000  }
0x84: {  	[spmem:s2] =	stream.indirect.scatter.add.f32 [tilespmem:s19], [sflag:$0x4], $0x80, s23, s16, $0xb8;
	[tilespmem:$0x1E800] =	vst v63  }
0x85: {  	_ =	swait.ge [sflag:s21], $0x4000  }
0x86: {  	[sflag:s21] =	ssyncset.done $0x0  }
0x87: {  	[sflag:s21] =	ssyncadd.s32 $0xFFFFC000  }
0x88: {  	_ =	swait.ge [sflag:s22], $0x4000  }
0x89: {  	s24 =	sadd.s32 $0x1, s24;
	[sflag:s22] =	ssyncset.done $0x0  }
0x8a: {  	p0 =	sne.s32 s24, s8;
	[sflag:s22] =	ssyncadd.s32 $0xFFFFC000  }
.Ltmp2:
0x8b: {  	[bflag:$0x0] =	sbarrier.arrive $0xFFFF;
	(pc) =	sbr.rel @p0 .LBB2_1-.Ltmp2, $4  }
0x8c: {  	[hbm:s7], [sflag:s6] =	dma.local [spmem:s13], $0x2800  }
0x8d: {  	_ =	swait.ge [sflag:s14], $0x2800  }
0x8e: {  	[sflag:s14] =	ssyncset.done $0x0  }
0x8f: {  	[sflag:s14] =	ssyncadd.s32 $0xFFFFD800  }
0x90: {  	_ =	sfence.sel $0x180000  }
0x91: {  	[bflag:$0x0] =	sbarrier.arrive $0xFFFF  }
0x92: {  	p0 =	sne.s32 s0, $0x0;
	_ =	strace $0x9000004A  }
0x93: {  	s0 =	sadd.s32 @!p0 $0x100000, s1;
	[bflag:$0x2] =	sbarrier.arrive $0xFFFF  }
0x94: {  	[sflag:s0] =	ssyncadd.tile.s32 @!p0 $0x1;
	_ =	shalt  }
.Lfunc_end2:
_tile_overlayer_lowered:
.L_overlay_start_2:
0x95: {  	(tag) =	ssettag $0x2  }
0x96: {  	s0 =	rddreg [dreg:$0x0];
	s2 =	stileid.u32  }
0x97: {  	s1 =	rddreg [dreg:$0x1];
	p0 =	sne.s32 s2, $0x0  }
0x98: {  	s3 =	rddreg [dreg:$0x2];
	[bflag:$0x3] =	sbarrier.arrive $0xFFFF;
	s2 =	simm.s32 @!p0 $0x1C05  }
0x99: {  	[timem:s3], [sflag:s2] =	dma.local @!p0 [hbm:s0], s1  }
0x9a: {  	s0 =	simm.s32 @!p0 $0x5  }
0x9b: {  	_ =	swait.ge @!p0 [sflag:s0], s1  }
0x9c: {  	s1 =	ssub.s32 @!p0 $0x0, s1;
	[sflag:s0] =	ssyncset.done @!p0 $0x0  }
0x9d: {  	[sflag:s0] =	ssyncadd.s32 @!p0 s1  }
0x9e: {  	[bflag:$0x3] =	sbarrier.arrive $0xFFFF  }
0x9f: {  	_ =	shalt  }

// kernel: kernel.14.cloned.1.call-start
scs
__scs_entry_jumppad:
0x0: {  	(pc) =	sbr.rel $0x88, $3  }
0x1: {  	(tag) =	ssettag $0x0;
	lr =	simm.s32 $0x1  }
0x2: {  	[smem:$0x3F9B] =	sst lr;
	_ =	strace $0xD0000000  }
0x3: {  	_ = 	snop  }
0x4: {  	_ = 	snop  }
0x5: {  	_ = 	snop  }
0x6: {  	_ = 	snop  }
0x7: {  	_ = 	snop  }
__scs_overlays_trampoline_lowered:
0x8: {  	[smem:$0x3FAA] =	sst s0  }
0x9: {  	[smem:$0x3FAB] =	sst s1  }
0xa: {  	[smem:$0x3FAC] =	sst s2  }
0xb: {  	[smem:$0x3FAD] =	sst s3  }
0xc: {  	[smem:$0x3FAE] =	sst s4  }
0xd: {  	[smem:$0x3FAF] =	sst s5  }
0xe: {  	[smem:$0x3FB0] =	sst s6  }
0xf: {  	[smem:$0x3FB1] =	sst s7  }
0x10: {  	[smem:$0x3FB2] =	sst s8  }
0x11: {  	[smem:$0x3FB3] =	sst s9;
	s0 =	simm.s32 @!p0 $0x0  }
0x12: {  	s1 =	sld [smem:$0x3F99];
	s0 =	simm.s32 @p0 $0x1  }
0x13: {  	[smem:$0x3FB4] =	sst s0;
	s0 =	simm.s32 @!p1 $0x0  }
0x14: {  	s2 =	sld [smem:$0x3F98];
	s0 =	simm.s32 @p1 $0x1  }
0x15: {  	[smem:$0x3FB5] =	sst s0;
	s0 =	simm.s32 @!p2 $0x0  }
0x16: {  	s3 =	sld [smem:$0x3FDB];
	s0 =	simm.s32 @p2 $0x1  }
0x17: {  	s4 =	simm.s32 $0x1BF5;
	[smem:$0x3FB7] =	sst s0  }
0x18: {  	s0 =	sld [smem:$0x3F9A];
	_ =	swait.ge [sflag:s4], $0x0  }
0x19: {  	s7 =	sld [smem:$0x3F9B]  }
0x1a: {  	s8 =	sadd.s32 $0xFFFFE003, lr  }
0x1b: {  	s9 =	sadd.s32 $0xFFFFFEF7, lr;
	s5 =	simm.s32 $0xFFFFFFFF;
	p2 =	slt.u32 s8, $0xFFFFF086  }
0x1c: {  	p1 =	slt.u32 s9, $0xF7A;
	s5 =	simm.s32 @!p2 $0x0  }
0x1d: {  	s5 =	simm.s32 @p1 $0x1;
	p0 =	seq.s32 s7, s2  }
0x1e: {  	s7 =	smul.u32 @!p0 $0xF7A, s2;
	p2 =	seq.s32 @!p0 s5, $0x0  }
0x1f: {  	s9 =	smul.u32 $0xF7A, s1;
	s8 =	simm.s32 @!p0 $0x1BF5;
	p2 =	por !p2, p0  }
0x20: {  	[sflag:s8] =	ssyncset.s32 @!p0 $0xFFFFF086;
	s6 =	sadd.s32 @!p0 s3, s7;
	s7 =	simm.s32 @!p0 $0x108  }
0x21: {  	s3 =	sadd.s32 s3, s9;
	s6 =	sadd.s32 @!p0 $0x88, s6;
	s7 =	simm.s32 @p2 $0x1082  }
0x22: {  	[simem:s7], [sflag:s8] =	dma.local @!p0 [hbm:s6], $0xF7A  }
0x23: {  	s9 =	sor.u32 $0xD0000000, s2;
	s6 =	simm.s32 $0x108;
	_ =	swait.ge @!p0 [sflag:s8], $0x0  }
0x24: {  	s3 =	sadd.s32 $0x88, s3;
	s6 =	simm.s32 @!p1 $0x1082;
	[sflag:s4] =	ssyncset.s32 $0xFFFFF086  }
0x25: {  	[simem:s6], [sflag:s4] =	dma.local [hbm:s3], $0xF7A  }
0x26: {  	[smem:$0x3F9B] =	sst s1;
	(tag) =	ssettag s2;
	_ =	strace s9  }
0x27: {  	s1 =	sld [smem:$0x3FAB]  }
0x28: {  	s2 =	sld [smem:$0x3FAC]  }
0x29: {  	s4 =	sld [smem:$0x3FAE]  }
0x2a: {  	p0 =	seq.s32 s5, $0x0;
	s5 =	sld [smem:$0x3FAF]  }
0x2b: {  	s6 =	sld [smem:$0x3FB0]  }
0x2c: {  	s7 =	sld [smem:$0x3FB1]  }
0x2d: {  	s3 =	simm.s32 $0x108;
	s8 =	sld [smem:$0x3FB2]  }
0x2e: {  	s3 =	simm.s32 @!p0 $0x1082;
	s9 =	sld [smem:$0x3FB3]  }
0x2f: {  	lr =	sadd.s32 s0, s3;
	s0 =	sld [smem:$0x3FAA]  }
0x30: {  	s3 =	sld [smem:$0x3FAD]  }
0x31: {  	[smem:$0x3FB6] =	sst s10  }
0x32: {  	s10 =	sld [smem:$0x3FB4];
	_ =	sdelay $0x3  }
0x33: {  	p0 =	seq.s32 s10, $0x1;
	s10 =	sld [smem:$0x3FB6];
	_ =	sdelay $0x3  }
0x34: {  	[smem:$0x3FB6] =	sst s10  }
0x35: {  	s10 =	sld [smem:$0x3FB5];
	_ =	sdelay $0x3  }
0x36: {  	p1 =	seq.s32 s10, $0x1;
	s10 =	sld [smem:$0x3FB6];
	_ =	sdelay $0x3  }
0x37: {  	[smem:$0x3FB6] =	sst s10  }
0x38: {  	s10 =	sld [smem:$0x3FB7]  }
0x39: {  	_ = 	snop;
	(pc) =	sbr.ind lr, $3  }
0x3a: {  	_ = 	snop  }
0x3b: {  	_ = 	snop  }
0x3c: {  	p2 =	seq.s32 s10, $0x1;
	s10 =	sld [smem:$0x3FB6]  }
0x3d: {  	_ =	shalt  }
0x3e: {  	_ =	shalt  }
0x3f: {  	_ =	shalt  }
0x40: {  	_ =	shalt  }
0x41: {  	_ =	shalt  }
0x42: {  	_ =	shalt  }
0x43: {  	_ =	shalt  }
0x44: {  	_ =	shalt  }
0x45: {  	_ =	shalt  }
0x46: {  	_ =	shalt  }
0x47: {  	_ =	shalt  }
0x48: {  	_ =	shalt  }
0x49: {  	_ =	shalt  }
0x4a: {  	_ =	shalt  }
0x4b: {  	_ =	shalt  }
0x4c: {  	_ =	shalt  }
0x4d: {  	_ =	shalt  }
0x4e: {  	_ =	shalt  }
0x4f: {  	_ =	shalt  }
0x50: {  	_ =	shalt  }
0x51: {  	_ =	shalt  }
0x52: {  	_ =	shalt  }
0x53: {  	_ =	shalt  }
0x54: {  	_ =	shalt  }
0x55: {  	_ =	shalt  }
0x56: {  	_ =	shalt  }
0x57: {  	_ =	shalt  }
0x58: {  	_ =	shalt  }
0x59: {  	_ =	shalt  }
0x5a: {  	_ =	shalt  }
0x5b: {  	_ =	shalt  }
0x5c: {  	_ =	shalt  }
0x5d: {  	_ =	shalt  }
0x5e: {  	_ =	shalt  }
0x5f: {  	_ =	shalt  }
0x60: {  	_ =	shalt  }
0x61: {  	_ =	shalt  }
0x62: {  	_ =	shalt  }
0x63: {  	_ =	shalt  }
0x64: {  	_ =	shalt  }
0x65: {  	_ =	shalt  }
0x66: {  	_ =	shalt  }
0x67: {  	_ =	shalt  }
0x68: {  	_ =	shalt  }
0x69: {  	_ =	shalt  }
0x6a: {  	_ =	shalt  }
0x6b: {  	_ =	shalt  }
0x6c: {  	_ =	shalt  }
0x6d: {  	_ =	shalt  }
0x6e: {  	_ =	shalt  }
0x6f: {  	_ =	shalt  }
0x70: {  	_ =	shalt  }
0x71: {  	_ =	shalt  }
0x72: {  	_ =	shalt  }
0x73: {  	_ =	shalt  }
0x74: {  	_ =	shalt  }
0x75: {  	_ =	shalt  }
0x76: {  	_ =	shalt  }
0x77: {  	_ =	shalt  }
0x78: {  	_ =	shalt  }
0x79: {  	_ =	shalt  }
0x7a: {  	_ =	shalt  }
0x7b: {  	_ =	shalt  }
0x7c: {  	_ =	shalt  }
0x7d: {  	_ =	shalt  }
0x7e: {  	_ =	shalt  }
0x7f: {  	_ =	shalt  }
0x80: {  	_ =	shalt  }
0x81: {  	_ =	shalt  }
0x82: {  	_ =	shalt  }
0x83: {  	_ =	shalt  }
0x84: {  	_ =	shalt  }
0x85: {  	_ =	shalt  }
0x86: {  	_ =	shalt  }
0x87: {  	_ =	shalt  }
.Lfunc_end0:
.L_simem_size_0:
called_computation.2_lowered:
.L_overlay_start_0:
0x88: {  	s2 =	sld [smem:$0x3FD9]  }
0x89: {  	s3 =	sld [smem:$0x3FFE];
	_ =	sdelay $0x1  }
0x8a: {  	s1 =	srdreg.scid  }
0x8b: {  	s0 =	sand.u32 $0x1, s1  }
0x8c: {  	s16 =	sshll.u32 s0, $0xA;
	s2 =	sadd.s32 s3, s2  }
0x8d: {  	s2 =	sadd.s32 s2, s16  }
0x8e: {  	[smem:$0x3FC2] =	sst s2  }
0x8f: {  	_ = 	snop  }
0x90: {  	(tm) =	ssettm $0x1  }
0x91: {  	s17 =	sld [smem:$0x3FFB];
	_ =	sdelay $0x3  }
0x92: {  	_ =	strace s17  }
0x93: {  	s2 =	sld [smem:$0x3FFC];
	_ =	sdelay $0x3  }
0x94: {  	_ =	strace s2  }
0x95: {  	s2 =	sld [smem:$0x3FFD];
	_ =	sdelay $0x3  }
0x96: {  	_ =	strace s2  }
0x97: {  	_ =	strace $0x8FFFFFFF  }
0x98: {  	s18 =	sld [smem:$0x3FDB];
	_ =	sdelay $0x1  }
0x99: {  	s19 =	simm.s32 $_scs_section_size  }
0x9a: {  	s4 =	simm.s32 $_size__tile_overlayer_lowered;
	s5 =	simm.s32 $_tile_overlayer_lowered  }
0x9b: {  	s22 =	simm.s32 $0x1BFF;
	s21 =	sshll.u32 s5, $0x1;
	s2 =	sadd.s32 s19, s18  }
0x9c: {  	s6 =	simm.s32 $0x0;
	s20 =	sshll.u32 s4, $0x1;
	s4 =	sadd.s32 s21, s2  }
0x9d: {  	[timem:s6], [sflag:s22] =	dma.local [hbm:s4], s20  }
0x9e: {  	_ =	swait.ge [sflag:s22], s20  }
0x9f: {  	s3 =	ssub.s32 $0x0, s20;
	[sflag:s22] =	ssyncset.done $0x0  }
0xa0: {  	[sflag:s22] =	ssyncadd.s32 s3;
	_ =	sdelay $0x1  }
0xa1: {  	s23 =	simm.s32 $0x1B8B  }
0xa2: {  	_ =	swait.ge [sflag:s23], $0x1  }
0xa3: {  	[sflag:s23] =	ssyncset.done $0x0  }
0xa4: {  	s25 =	simm.s32 $0x1B8E;
	s24 =	sld [smem:$0x3FFE];
	[sflag:s23] =	ssyncadd.s32 $0xFFFFFFFF  }
0xa5: {  	s26 =	simm.s32 $execute0_lowered;
	[smem:$0x3FD2] =	sst s25  }
0xa6: {  	s4 =	sshll.u32 s26, $0x1;
	_ =	strace $0x8000004C;
	[dreg:$0x1] =	wrdreg $0xFFFFFFFF  }
0xa7: {  	s28 =	simm.s32 $_size_execute0_lowered;
	s2 =	sadd.s32 s2, s4;
	[dreg:$0x0] =	wrdreg $0x0  }
0xa8: {  	s4 =	sshll.u32 s28, $0x1;
	[dreg:$0x2] =	wrdreg s2  }
0xa9: {  	[dreg:$0x3] =	wrdreg s4  }
0xaa: {  	[dreg:$0x4] =	wrdreg $0xC0  }
0xab: {  	_ =	task [dreg:s6], $0x5FFFF  }
0xac: {  	[dreg:$0x1] =	wrdreg $0xFFFFFFFF  }
0xad: {  	[dreg:$0x0] =	wrdreg $0x60  }
0xae: {  	[dreg:$0x2] =	wrdreg s24  }
0xaf: {  	[dreg:$0x3] =	wrdreg $0xCA800  }
0xb0: {  	[dreg:$0x4] =	wrdreg $0x9  }
0xb1: {  	_ =	task.clear_ibuf [dreg:s6], $0x5FFFF;
	_ =	strace $0x9000004C  }
0xb2: {  	s29 =	simm.s32 $0x9;
	_ =	strace $0x8000004E  }
0xb3: {  	_ =	swait.ge [sflag:s29], $0x1  }
0xb4: {  	[sflag:s29] =	ssyncadd.s32 $0xFFFFFFFF  }
0xb5: {  	_ =	strace $0x9000004E  }
0xb6: {  	_ =	sfence  }
0xb7: {  	s30 =	sld [smem:$0x0];
	_ =	sdelay $0x2  }
0xb8: {  	s31 =	sshll.u32 s1, $0xD;
	s1 =	sshrl.u32 s1, $0x2  }
0xb9: {  	s3 =	sand.u32 $0x4000, s31;
	s1 =	sadd.s32 s1, s30  }
0xba: {  	s0 =	sor.u32 s3, s0;
	s1 =	sshll.u32 s1, $0x11  }
0xbb: {  	s0 =	sor.u32 s1, s0  }
0xbc: {  	s0 =	sadd.s32 $0x8F2B, s0  }
0xbd: {  	[sflag:s0] =	ssyncadd.remote.s32 $0x1  }
0xbe: {  	_ =	sfence.sel $0xFFFF  }
0xbf: {  	[dreg:$0x0] =	wrdreg $0xFFFFFFFF;
	(pc) =	sbr.abs _section_cstart, $3  }
0xc0: {  	[dreg:$0x1] =	wrdreg $0xFFFFFFFF  }
0xc1: {  	_ =	task.clear_ibuf [dreg:s6], $0x2FFFF;
	_ =	strace $0x9FFFFFFF  }
0xc2: {  	(tm) =	ssettm $0x7FFFFFFF  }
0xc3: {  	_ =	shalt  }
tec
execute0_lowered:
.L_overlay_start_1:
0x0: {  	(tag) =	ssettag $0x1  }
0x1: {  	s4 =	rddreg [dreg:$0x0]  }
0x2: {  	s7 =	rddreg [dreg:$0x1];
	s1 =	srdreg.scid  }
0x3: {  	s0 =	rddreg [dreg:$0x2];
	s2 =	simm.s32 $0x0;
	s13 =	simm.s32 $0x7800  }
0x4: {  	s14 =	simm.s32 $0x80;
	s15 =	simm.s32 $0x400;
	s16 =	simm.s32 $0x1400  }
0x5: {  	s17 =	simm.s32 $0x14000;
	s18 =	simm.s32 $0xA000;
	s19 =	simm.s32 $0x100  }
0x6: {  	s20 =	simm.s32 $0xC800;
	s21 =	simm.s32 $0x0;
	s5 =	sand.u32 $0x1, s1  }
0x7: {  	[smem:$0x7FF] =	sst s2;
	s1 =	stileid.u32;
	s3 =	sshll.u32 s5, $0x4  }
0x8: {  	_ =	strace $0x8000004D;
	s8 =	smul.u32 $0x500, s1;
	s9 =	sshll.u32 s5, $0x7  }
0x9: {  	s5 =	ssub.s32 $0x2, s5;
	s29 =	sshrl.u32 s1, $0x3;
	s30 =	sshll.u32 s1, $0x7  }
0xa: {  	s11 =	smul.u32 $0x5000, s1;
	s6 =	sor.u32 s1, s3;
	s3 =	sadd.s32 $0x15A00, s4  }
0xb: {  	s10 =	sshrl.u32 s5, $0x1;
	s12 =	sand.u32 $0x380, s30;
	s6 =	smul.u32 $0x500, s6  }
0xc: {  	s8 =	sor.u32 s9, s8;
	s9 =	smul.u32 $0x50000, s29;
	s10 =	ssub.s32 s5, s10  }
0xd: {  	s31 =	sshrl.u32 s11, $0x2;
	s11 =	simm.s32 $0x2800;
	s8 =	sshrl.u32 s8, $0x3  }
0xe: {  	s6 =	sadd.s32 s6, s4;
	s8 =	sadd.s32 s8, s4;
	s9 =	sshrl.u32 s9, $0x2  }
0xf: {  	s4 =	sadd.s32 $0x1A00, s6;
	s9 =	sadd.s32 s9, s7;
	s5 =	sadd.s32 $0xBA00, s6  }
0x10: {  	s7 =	sadd.s32 s31, s7;
	s8 =	sadd.s32 $0x16000, s8;
	s6 =	sadd.s32 s12, s9  }
0x11: {  	v0 =	vimm.f32 $0.0e+00;
	s9 =	smax.u32 s10, $0x1;
	s10 =	simm.s32 $0x1;
	s12 =	simm.s32 $0x5000  }
.LBB2_1:
0x12: {  	[tilespmem:s2], [sflag:$0x1] =	stream.linear.gather [hbm4b:s3+s2], $0x2800, $0x38;
	[tilespmem:$0xF280] =	vst v63  }
0x13: {  	_ =	swait.ge [sflag:s10], $0x2800  }
0x14: {  	[sflag:s10] =	ssyncset.done $0x0  }
0x15: {  	[sflag:s10] =	ssyncadd.s32 $0xFFFFD800  }
0x16: {  	[tilespmem:s11], [sflag:$0x1] =	stream.linear.gather [hbm4b:s4+s2], $0x2800, $0x38;
	[tilespmem:$0xF280] =	vst v63  }
0x17: {  	_ =	swait.ge [sflag:s10], $0x2800  }
0x18: {  	[sflag:s10] =	ssyncset.done $0x0  }
0x19: {  	[sflag:s10] =	ssyncadd.s32 $0xFFFFD800  }
0x1a: {  	[tilespmem:s12], [sflag:$0x1] =	stream.linear.gather [hbm4b:s5+s2], $0x2800, $0x38;
	[tilespmem:$0xF280] =	vst v63  }
0x1b: {  	_ =	swait.ge [sflag:s10], $0x2800  }
0x1c: {  	[sflag:s10] =	ssyncset.done $0x0  }
0x1d: {  	s22 =	simm.s32 $0x0;
	[sflag:s10] =	ssyncadd.s32 $0xFFFFD800  }
.LBB2_2:
0x1e: {  	p0 =	sne.s32 s22, $0x9FC0  }
.Ltmp0:
0x1f: {  	_ = 	snop;
	(pc) =	sbr.rel @p0 .LBB2_2-.Ltmp0, $3  }
0x20: {  	_ =	sdelay $0x1  }
0x21: {  	s23 =	sshra.s32 s22, $0x2  }
0x22: {  	s22 =	sadd.s32 $0x40, s22;
	[tilespmem:s23+$0x7800] =	vst v0  }
0x23: {  	s22 =	simm.s32 $0x0  }
.LBB2_4:
0x24: {  	s23 =	sshra.s32 s22, $0x2  }
0x25: {  	v1 =	vld [tilespmem:s23+$0x2800];
	_ =	sdelay $0x4  }
0x26: {  	v2 =	vld [tilespmem:s23+$0x5000];
	_ =	sdelay $0x2  }
0x27: {  	v1 =	vld.idx.msk [tilespmem:v1+s2+$0x0], $0xffff;
	_ =	sdelay $0x4  }
0x28: {  	[tilespmem:v2+s13+$0x0] =	vst.idx.add.f32.msk $0xffff, v1  }
0x29: {  	v1 =	vld [tilespmem:s23+$0x2810];
	_ =	sdelay $0x4  }
0x2a: {  	v2 =	vld [tilespmem:s23+$0x5010];
	_ =	sdelay $0x2  }
0x2b: {  	v1 =	vld.idx.msk [tilespmem:v1+s2+$0x0], $0xffff;
	_ =	sdelay $0x4  }
0x2c: {  	[tilespmem:v2+s13+$0x0] =	vst.idx.add.f32.msk $0xffff, v1  }
0x2d: {  	v1 =	vld [tilespmem:s23+$0x2820];
	_ =	sdelay $0x4  }
0x2e: {  	v2 =	vld [tilespmem:s23+$0x5020];
	_ =	sdelay $0x2  }
0x2f: {  	v1 =	vld.idx.msk [tilespmem:v1+s2+$0x0], $0xffff;
	_ =	sdelay $0x4  }
0x30: {  	[tilespmem:v2+s13+$0x0] =	vst.idx.add.f32.msk $0xffff, v1  }
0x31: {  	v1 =	vld [tilespmem:s23+$0x2830];
	_ =	sdelay $0x4  }
0x32: {  	v2 =	vld [tilespmem:s23+$0x5030];
	_ =	sdelay $0x2  }
0x33: {  	v1 =	vld.idx.msk [tilespmem:v1+s2+$0x0], $0xffff;
	_ =	sdelay $0x4  }
0x34: {  	[tilespmem:v2+s13+$0x0] =	vst.idx.add.f32.msk $0xffff, v1  }
0x35: {  	v1 =	vld [tilespmem:s23+$0x2840];
	_ =	sdelay $0x4  }
0x36: {  	v2 =	vld [tilespmem:s23+$0x5040];
	_ =	sdelay $0x2  }
0x37: {  	v1 =	vld.idx.msk [tilespmem:v1+s2+$0x0], $0xffff;
	_ =	sdelay $0x4  }
0x38: {  	[tilespmem:v2+s13+$0x0] =	vst.idx.add.f32.msk $0xffff, v1  }
0x39: {  	v1 =	vld [tilespmem:s23+$0x2850];
	_ =	sdelay $0x4  }
0x3a: {  	v2 =	vld [tilespmem:s23+$0x5050];
	_ =	sdelay $0x2  }
0x3b: {  	v1 =	vld.idx.msk [tilespmem:v1+s2+$0x0], $0xffff;
	_ =	sdelay $0x4  }
0x3c: {  	[tilespmem:v2+s13+$0x0] =	vst.idx.add.f32.msk $0xffff, v1  }
0x3d: {  	v1 =	vld [tilespmem:s23+$0x2860];
	_ =	sdelay $0x4  }
0x3e: {  	v2 =	vld [tilespmem:s23+$0x5060];
	_ =	sdelay $0x2  }
0x3f: {  	v1 =	vld.idx.msk [tilespmem:v1+s2+$0x0], $0xffff;
	_ =	sdelay $0x4  }
0x40: {  	[tilespmem:v2+s13+$0x0] =	vst.idx.add.f32.msk $0xffff, v1  }
0x41: {  	v1 =	vld [tilespmem:s23+$0x2870];
	_ =	sdelay $0x4  }
0x42: {  	v2 =	vld [tilespmem:s23+$0x5070];
	_ =	sdelay $0x2  }
0x43: {  	p0 =	sne.s32 s22, $0x9E00;
	v1 =	vld.idx.msk [tilespmem:v1+s2+$0x0], $0xffff  }
.Ltmp1:
0x44: {  	_ = 	snop;
	(pc) =	sbr.rel @p0 .LBB2_4-.Ltmp1, $2  }
0x45: {  	_ =	sdelay $0x2  }
0x46: {  	s22 =	sadd.s32 $0x200, s22;
	[tilespmem:v2+s13+$0x0] =	vst.idx.add.f32.msk $0xffff, v1  }
0x47: {  	[spmem:s6] =	stream.strided.scatter [tilespmem:s13], [sflag:$0x1], $0x2800, s15, s14, $0x38;
	[tilespmem:$0xF280] =	vst v63  }
0x48: {  	_ =	swait.ge [sflag:s10], $0x2800  }
0x49: {  	[sflag:s10] =	ssyncset.done $0x0  }
0x4a: {  	[sflag:s10] =	ssyncadd.s32 $0xFFFFD800  }
0x4b: {  	[bflag:$0x0] =	sbarrier.arrive $0xFFFF  }
0x4c: {  	[tilespmem:s18], [sflag:$0x1] =	stream.strided.gather [spmem:s7], $0x2800, s17, s16, $0x38;
	[tilespmem:$0xF280] =	vst v63  }
0x4d: {  	s22 =	simm.s32 $0x0;
	_ =	swait.ge [sflag:s10], $0x2800  }
0x4e: {  	s23 =	sand.u32 $0x70, s22;
	s22 =	sand.u32 $0x1C00, s22;
	[sflag:s10] =	ssyncset.done $0x0  }
0x4f: {  	s22 =	sor.u32 s23, s22;
	[sflag:s10] =	ssyncadd.s32 $0xFFFFD800  }
0x50: {  	v1 =	vld [tilespmem:s22+$0xA080]  }
0x51: {  	v2 =	vld [tilespmem:s22+$0xA000];
	_ =	sdelay $0x1  }
0x52: {  	v3 =	vld [tilespmem:s22+$0xA100];
	_ =	sdelay $0x1  }
0x53: {  	v4 =	vld [tilespmem:s22+$0xA180]  }
0x54: {  	v1 =	vadd.f32 v1, v2  }
0x55: {  	v2 =	vld [tilespmem:s22+$0xA200]  }
0x56: {  	v1 =	vadd.f32 v3, v1  }
0x57: {  	v3 =	vld [tilespmem:s22+$0xA280]  }
0x58: {  	v1 =	vadd.f32 v4, v1  }
0x59: {  	v60 =	vld [tilespmem:s22+$0xA300]  }
0x5a: {  	v1 =	vadd.f32 v2, v1  }
0x5b: {  	v2 =	vld [tilespmem:s22+$0xA380]  }
0x5c: {  	v1 =	vadd.f32 v3, v1  }
0x5d: {  	v3 =	vld [tilespmem:s22+$0xB400]  }
0x5e: {  	v1 =	vadd.f32 v60, v1  }
0x5f: {  	v61 =	vld [tilespmem:s22+$0xB480]  }
0x60: {  	v1 =	vadd.f32 v2, v1  }
0x61: {  	v2 =	vld [tilespmem:s22+$0xB500]  }
0x62: {  	v1 =	vadd.f32 v3, v1  }
0x63: {  	v3 =	vld [tilespmem:s22+$0xB580]  }
0x64: {  	v1 =	vadd.f32 v61, v1  }
0x65: {  	v62 =	vld [tilespmem:s22+$0xB600]  }
0x66: {  	v1 =	vadd.f32 v2, v1  }
0x67: {  	v2 =	vld [tilespmem:s22+$0xB680]  }
0x68: {  	v1 =	vadd.f32 v3, v1  }
0x69: {  	v3 =	vld [tilespmem:s22+$0xB700]  }
0x6a: {  	v1 =	vadd.f32 v62, v1  }
0x6b: {  	v63 =	vld [tilespmem:s22+$0xB780]  }
0x6c: {  	v1 =	vadd.f32 v2, v1;
	_ =	sdelay $0x1  }
0x6d: {  	v1 =	vadd.f32 v3, v1;
	_ =	sdelay $0x1  }
0x6e: {  	s31 =	simm.s32 $0x10;
	s24 =	simm.s32 $0x80;
	v1 =	vadd.f32 v63, v1  }
0x6f: {  	s25 =	sand.u32 $0x1C00, s24;
	s23 =	sand.u32 $0x70, s31;
	s22 =	simm.s32 $0xC800  }
0x70: {  	s23 =	sor.u32 s23, s25;
	s25 =	simm.s32 $0x20;
	[tilespmem:s22+$0x0] =	vst v1  }
.LBB2_6:
0x71: {  	p0 =	sne.s32 s25, $0x270;
	v1 =	vld [tilespmem:s23+$0xA080]  }
0x72: {  	v2 =	vld [tilespmem:s23+$0xA000];
	_ =	sdelay $0x1  }
0x73: {  	v3 =	vld [tilespmem:s23+$0xA100];
	_ =	sdelay $0x1  }
0x74: {  	v4 =	vld [tilespmem:s23+$0xA180]  }
0x75: {  	v1 =	vadd.f32 v1, v2  }
0x76: {  	v2 =	vld [tilespmem:s23+$0xA200]  }
0x77: {  	v1 =	vadd.f32 v3, v1  }
0x78: {  	v3 =	vld [tilespmem:s23+$0xA280]  }
0x79: {  	v1 =	vadd.f32 v4, v1  }
0x7a: {  	v4 =	vld [tilespmem:s23+$0xA300]  }
0x7b: {  	v1 =	vadd.f32 v2, v1  }
0x7c: {  	v2 =	vld [tilespmem:s23+$0xA380]  }
0x7d: {  	v1 =	vadd.f32 v3, v1  }
0x7e: {  	v3 =	vld [tilespmem:s23+$0xB400]  }
0x7f: {  	v1 =	vadd.f32 v4, v1  }
0x80: {  	v4 =	vld [tilespmem:s23+$0xB480]  }
0x81: {  	v1 =	vadd.f32 v2, v1  }
0x82: {  	v2 =	vld [tilespmem:s23+$0xB500]  }
0x83: {  	v1 =	vadd.f32 v3, v1  }
0x84: {  	v3 =	vld [tilespmem:s23+$0xB580]  }
0x85: {  	v1 =	vadd.f32 v4, v1  }
0x86: {  	v4 =	vld [tilespmem:s23+$0xB600]  }
0x87: {  	v1 =	vadd.f32 v2, v1  }
0x88: {  	v2 =	vld [tilespmem:s23+$0xB680]  }
0x89: {  	v1 =	vadd.f32 v3, v1  }
0x8a: {  	v3 =	vld [tilespmem:s23+$0xB700]  }
0x8b: {  	v1 =	vadd.f32 v4, v1  }
0x8c: {  	v4 =	vld [tilespmem:s23+$0xB780]  }
0x8d: {  	v1 =	vadd.f32 v2, v1;
	_ =	sdelay $0x1  }
.Ltmp2:
0x8e: {  	v1 =	vadd.f32 v3, v1;
	(pc) =	sbr.rel @p0 .LBB2_6-.Ltmp2, $4  }
0x8f: {  	_ = 	snop  }
0x90: {  	s24 =	sadd.s32 $0x80, s24;
	v1 =	vadd.f32 v4, v1  }
0x91: {  	s22 =	sadd.s32 $0x10, s22;
	s26 =	sand.u32 $0x1C00, s24;
	s23 =	sand.u32 $0x70, s25  }
0x92: {  	s25 =	sadd.s32 $0x10, s25;
	s23 =	sor.u32 s23, s26;
	[tilespmem:s22+$0x0] =	vst v1  }
0x93: {  	v1 =	vld [tilespmem:s23+$0xA080]  }
0x94: {  	v2 =	vld [tilespmem:s23+$0xA000];
	_ =	sdelay $0x1  }
0x95: {  	v3 =	vld [tilespmem:s23+$0xA100];
	_ =	sdelay $0x1  }
0x96: {  	v4 =	vld [tilespmem:s23+$0xA180]  }
0x97: {  	v1 =	vadd.f32 v1, v2  }
0x98: {  	v2 =	vld [tilespmem:s23+$0xA200]  }
0x99: {  	v1 =	vadd.f32 v3, v1  }
0x9a: {  	v3 =	vld [tilespmem:s23+$0xA280]  }
0x9b: {  	v1 =	vadd.f32 v4, v1  }
0x9c: {  	v60 =	vld [tilespmem:s23+$0xA300]  }
0x9d: {  	v1 =	vadd.f32 v2, v1  }
0x9e: {  	v2 =	vld [tilespmem:s23+$0xA380]  }
0x9f: {  	v1 =	vadd.f32 v3, v1  }
0xa0: {  	v3 =	vld [tilespmem:s23+$0xB400]  }
0xa1: {  	v1 =	vadd.f32 v60, v1  }
0xa2: {  	v61 =	vld [tilespmem:s23+$0xB480]  }
0xa3: {  	v1 =	vadd.f32 v2, v1  }
0xa4: {  	v2 =	vld [tilespmem:s23+$0xB500]  }
0xa5: {  	v1 =	vadd.f32 v3, v1  }
0xa6: {  	v3 =	vld [tilespmem:s23+$0xB580]  }
0xa7: {  	v1 =	vadd.f32 v61, v1  }
0xa8: {  	v62 =	vld [tilespmem:s23+$0xB600]  }
0xa9: {  	v1 =	vadd.f32 v2, v1  }
0xaa: {  	v2 =	vld [tilespmem:s23+$0xB680]  }
0xab: {  	v1 =	vadd.f32 v3, v1  }
0xac: {  	v3 =	vld [tilespmem:s23+$0xB700]  }
0xad: {  	v1 =	vadd.f32 v62, v1  }
0xae: {  	v63 =	vld [tilespmem:s23+$0xB780]  }
0xaf: {  	v1 =	vadd.f32 v2, v1;
	_ =	sdelay $0x1  }
0xb0: {  	v1 =	vadd.f32 v3, v1;
	_ =	sdelay $0x1  }
0xb1: {  	s21 =	sadd.s32 $0x1, s21;
	v1 =	vadd.f32 v63, v1  }
0xb2: {  	s22 =	sadd.s32 $0x10, s22;
	p0 =	sne.s32 s21, s9  }
.Ltmp3:
0xb3: {  	[tilespmem:s22+$0x0] =	vst v1;
	(pc) =	sbr.rel @p0 .LBB2_1-.Ltmp3, $4  }
0xb4: {  	[hbm4b:s8+s14] =	stream.strided.scatter [tilespmem:s20], [sflag:$0x1], $0x280, s19, s14, $0x38;
	[tilespmem:$0xF280] =	vst v63  }
0xb5: {  	_ =	swait.ge [sflag:s10], $0x280  }
0xb6: {  	[sflag:s10] =	ssyncset.done $0x0  }
0xb7: {  	[sflag:s10] =	ssyncadd.s32 $0xFFFFFD80  }
0xb8: {  	_ =	sfence.sel $0x180000  }
0xb9: {  	[bflag:$0x0] =	sbarrier.arrive $0xFFFF  }
0xba: {  	p0 =	sne.s32 s1, $0x0;
	_ =	strace $0x9000004D  }
0xbb: {  	s0 =	sadd.s32 @!p0 $0x100000, s0;
	[bflag:$0x2] =	sbarrier.arrive $0xFFFF  }
0xbc: {  	[sflag:s0] =	ssyncadd.tile.s32 @!p0 $0x1;
	_ =	shalt  }
.Lfunc_end2:
_tile_overlayer_lowered:
.L_overlay_start_2:
0xbd: {  	(tag) =	ssettag $0x2  }
0xbe: {  	s0 =	rddreg [dreg:$0x0];
	s2 =	stileid.u32  }
0xbf: {  	s1 =	rddreg [dreg:$0x1];
	p0 =	sne.s32 s2, $0x0  }
0xc0: {  	s3 =	rddreg [dreg:$0x2];
	[bflag:$0x3] =	sbarrier.arrive $0xFFFF;
	s2 =	simm.s32 @!p0 $0x1C01  }
0xc1: {  	[timem:s3], [sflag:s2] =	dma.local @!p0 [hbm:s0], s1  }
0xc2: {  	s0 =	simm.s32 @!p0 $0x1  }
0xc3: {  	_ =	swait.ge @!p0 [sflag:s0], s1  }
0xc4: {  	s1 =	ssub.s32 @!p0 $0x0, s1;
	[sflag:s0] =	ssyncset.done @!p0 $0x0  }
0xc5: {  	[sflag:s0] =	ssyncadd.s32 @!p0 s1  }
0xc6: {  	[bflag:$0x3] =	sbarrier.arrive $0xFFFF  }
0xc7: {  	_ =	shalt  }

// kernel: kernel.8.cloned.1.call-start
scs
__scs_entry_jumppad:
0x0: {  	(pc) =	sbr.rel $0x88, $3  }
0x1: {  	(tag) =	ssettag $0x0;
	lr =	simm.s32 $0x1  }
0x2: {  	[smem:$0x3F9B] =	sst lr;
	_ =	strace $0xD0000000  }
0x3: {  	_ = 	snop  }
0x4: {  	_ = 	snop  }
0x5: {  	_ = 	snop  }
0x6: {  	_ = 	snop  }
0x7: {  	_ = 	snop  }
__scs_overlays_trampoline_lowered:
0x8: {  	[smem:$0x3FAA] =	sst s0  }
0x9: {  	[smem:$0x3FAB] =	sst s1  }
0xa: {  	[smem:$0x3FAC] =	sst s2  }
0xb: {  	[smem:$0x3FAD] =	sst s3  }
0xc: {  	[smem:$0x3FAE] =	sst s4  }
0xd: {  	[smem:$0x3FAF] =	sst s5  }
0xe: {  	[smem:$0x3FB0] =	sst s6  }
0xf: {  	[smem:$0x3FB1] =	sst s7  }
0x10: {  	[smem:$0x3FB2] =	sst s8  }
0x11: {  	[smem:$0x3FB3] =	sst s9;
	s0 =	simm.s32 @!p0 $0x0  }
0x12: {  	s1 =	sld [smem:$0x3F99];
	s0 =	simm.s32 @p0 $0x1  }
0x13: {  	[smem:$0x3FB4] =	sst s0;
	s0 =	simm.s32 @!p1 $0x0  }
0x14: {  	s2 =	sld [smem:$0x3F98];
	s0 =	simm.s32 @p1 $0x1  }
0x15: {  	[smem:$0x3FB5] =	sst s0;
	s0 =	simm.s32 @!p2 $0x0  }
0x16: {  	s3 =	sld [smem:$0x3FDB];
	s0 =	simm.s32 @p2 $0x1  }
0x17: {  	s4 =	simm.s32 $0x1BF5;
	[smem:$0x3FB7] =	sst s0  }
0x18: {  	s0 =	sld [smem:$0x3F9A];
	_ =	swait.ge [sflag:s4], $0x0  }
0x19: {  	s7 =	sld [smem:$0x3F9B]  }
0x1a: {  	s8 =	sadd.s32 $0xFFFFE003, lr  }
0x1b: {  	s9 =	sadd.s32 $0xFFFFFEF7, lr;
	s5 =	simm.s32 $0xFFFFFFFF;
	p2 =	slt.u32 s8, $0xFFFFF086  }
0x1c: {  	p1 =	slt.u32 s9, $0xF7A;
	s5 =	simm.s32 @!p2 $0x0  }
0x1d: {  	s5 =	simm.s32 @p1 $0x1;
	p0 =	seq.s32 s7, s2  }
0x1e: {  	s7 =	smul.u32 @!p0 $0xF7A, s2;
	p2 =	seq.s32 @!p0 s5, $0x0  }
0x1f: {  	s9 =	smul.u32 $0xF7A, s1;
	s8 =	simm.s32 @!p0 $0x1BF5;
	p2 =	por !p2, p0  }
0x20: {  	[sflag:s8] =	ssyncset.s32 @!p0 $0xFFFFF086;
	s6 =	sadd.s32 @!p0 s3, s7;
	s7 =	simm.s32 @!p0 $0x108  }
0x21: {  	s3 =	sadd.s32 s3, s9;
	s6 =	sadd.s32 @!p0 $0x88, s6;
	s7 =	simm.s32 @p2 $0x1082  }
0x22: {  	[simem:s7], [sflag:s8] =	dma.local @!p0 [hbm:s6], $0xF7A  }
0x23: {  	s9 =	sor.u32 $0xD0000000, s2;
	s6 =	simm.s32 $0x108;
	_ =	swait.ge @!p0 [sflag:s8], $0x0  }
0x24: {  	s3 =	sadd.s32 $0x88, s3;
	s6 =	simm.s32 @!p1 $0x1082;
	[sflag:s4] =	ssyncset.s32 $0xFFFFF086  }
0x25: {  	[simem:s6], [sflag:s4] =	dma.local [hbm:s3], $0xF7A  }
0x26: {  	[smem:$0x3F9B] =	sst s1;
	(tag) =	ssettag s2;
	_ =	strace s9  }
0x27: {  	s1 =	sld [smem:$0x3FAB]  }
0x28: {  	s2 =	sld [smem:$0x3FAC]  }
0x29: {  	s4 =	sld [smem:$0x3FAE]  }
0x2a: {  	p0 =	seq.s32 s5, $0x0;
	s5 =	sld [smem:$0x3FAF]  }
0x2b: {  	s6 =	sld [smem:$0x3FB0]  }
0x2c: {  	s7 =	sld [smem:$0x3FB1]  }
0x2d: {  	s3 =	simm.s32 $0x108;
	s8 =	sld [smem:$0x3FB2]  }
0x2e: {  	s3 =	simm.s32 @!p0 $0x1082;
	s9 =	sld [smem:$0x3FB3]  }
0x2f: {  	lr =	sadd.s32 s0, s3;
	s0 =	sld [smem:$0x3FAA]  }
0x30: {  	s3 =	sld [smem:$0x3FAD]  }
0x31: {  	[smem:$0x3FB6] =	sst s10  }
0x32: {  	s10 =	sld [smem:$0x3FB4];
	_ =	sdelay $0x3  }
0x33: {  	p0 =	seq.s32 s10, $0x1;
	s10 =	sld [smem:$0x3FB6];
	_ =	sdelay $0x3  }
0x34: {  	[smem:$0x3FB6] =	sst s10  }
0x35: {  	s10 =	sld [smem:$0x3FB5];
	_ =	sdelay $0x3  }
0x36: {  	p1 =	seq.s32 s10, $0x1;
	s10 =	sld [smem:$0x3FB6];
	_ =	sdelay $0x3  }
0x37: {  	[smem:$0x3FB6] =	sst s10  }
0x38: {  	s10 =	sld [smem:$0x3FB7]  }
0x39: {  	_ = 	snop;
	(pc) =	sbr.ind lr, $3  }
0x3a: {  	_ = 	snop  }
0x3b: {  	_ = 	snop  }
0x3c: {  	p2 =	seq.s32 s10, $0x1;
	s10 =	sld [smem:$0x3FB6]  }
0x3d: {  	_ =	shalt  }
0x3e: {  	_ =	shalt  }
0x3f: {  	_ =	shalt  }
0x40: {  	_ =	shalt  }
0x41: {  	_ =	shalt  }
0x42: {  	_ =	shalt  }
0x43: {  	_ =	shalt  }
0x44: {  	_ =	shalt  }
0x45: {  	_ =	shalt  }
0x46: {  	_ =	shalt  }
0x47: {  	_ =	shalt  }
0x48: {  	_ =	shalt  }
0x49: {  	_ =	shalt  }
0x4a: {  	_ =	shalt  }
0x4b: {  	_ =	shalt  }
0x4c: {  	_ =	shalt  }
0x4d: {  	_ =	shalt  }
0x4e: {  	_ =	shalt  }
0x4f: {  	_ =	shalt  }
0x50: {  	_ =	shalt  }
0x51: {  	_ =	shalt  }
0x52: {  	_ =	shalt  }
0x53: {  	_ =	shalt  }
0x54: {  	_ =	shalt  }
0x55: {  	_ =	shalt  }
0x56: {  	_ =	shalt  }
0x57: {  	_ =	shalt  }
0x58: {  	_ =	shalt  }
0x59: {  	_ =	shalt  }
0x5a: {  	_ =	shalt  }
0x5b: {  	_ =	shalt  }
0x5c: {  	_ =	shalt  }
0x5d: {  	_ =	shalt  }
0x5e: {  	_ =	shalt  }
0x5f: {  	_ =	shalt  }
0x60: {  	_ =	shalt  }
0x61: {  	_ =	shalt  }
0x62: {  	_ =	shalt  }
0x63: {  	_ =	shalt  }
0x64: {  	_ =	shalt  }
0x65: {  	_ =	shalt  }
0x66: {  	_ =	shalt  }
0x67: {  	_ =	shalt  }
0x68: {  	_ =	shalt  }
0x69: {  	_ =	shalt  }
0x6a: {  	_ =	shalt  }
0x6b: {  	_ =	shalt  }
0x6c: {  	_ =	shalt  }
0x6d: {  	_ =	shalt  }
0x6e: {  	_ =	shalt  }
0x6f: {  	_ =	shalt  }
0x70: {  	_ =	shalt  }
0x71: {  	_ =	shalt  }
0x72: {  	_ =	shalt  }
0x73: {  	_ =	shalt  }
0x74: {  	_ =	shalt  }
0x75: {  	_ =	shalt  }
0x76: {  	_ =	shalt  }
0x77: {  	_ =	shalt  }
0x78: {  	_ =	shalt  }
0x79: {  	_ =	shalt  }
0x7a: {  	_ =	shalt  }
0x7b: {  	_ =	shalt  }
0x7c: {  	_ =	shalt  }
0x7d: {  	_ =	shalt  }
0x7e: {  	_ =	shalt  }
0x7f: {  	_ =	shalt  }
0x80: {  	_ =	shalt  }
0x81: {  	_ =	shalt  }
0x82: {  	_ =	shalt  }
0x83: {  	_ =	shalt  }
0x84: {  	_ =	shalt  }
0x85: {  	_ =	shalt  }
0x86: {  	_ =	shalt  }
0x87: {  	_ =	shalt  }
.Lfunc_end0:
.L_simem_size_0:
called_computation_lowered:
.L_overlay_start_0:
0x88: {  	s2 =	sld [smem:$0x3FD9]  }
0x89: {  	s3 =	sld [smem:$0x3FFE];
	_ =	sdelay $0x1  }
0x8a: {  	s1 =	srdreg.scid  }
0x8b: {  	s0 =	sand.u32 $0x1, s1  }
0x8c: {  	s16 =	sshll.u32 s0, $0xA;
	s2 =	sadd.s32 s3, s2  }
0x8d: {  	s2 =	sadd.s32 s2, s16  }
0x8e: {  	[smem:$0x3FC2] =	sst s2  }
0x8f: {  	_ = 	snop  }
0x90: {  	(tm) =	ssettm $0x1  }
0x91: {  	s17 =	sld [smem:$0x3FFB];
	_ =	sdelay $0x3  }
0x92: {  	_ =	strace s17  }
0x93: {  	s2 =	sld [smem:$0x3FFC];
	_ =	sdelay $0x3  }
0x94: {  	_ =	strace s2  }
0x95: {  	s2 =	sld [smem:$0x3FFD];
	_ =	sdelay $0x3  }
0x96: {  	_ =	strace s2  }
0x97: {  	_ =	strace $0x8FFFFFFF  }
0x98: {  	s18 =	sld [smem:$0x3FDB];
	_ =	sdelay $0x1  }
0x99: {  	s19 =	simm.s32 $_scs_section_size  }
0x9a: {  	s4 =	simm.s32 $_size__tile_overlayer_lowered;
	s5 =	simm.s32 $_tile_overlayer_lowered  }
0x9b: {  	s22 =	simm.s32 $0x1BFF;
	s21 =	sshll.u32 s5, $0x1;
	s2 =	sadd.s32 s19, s18  }
0x9c: {  	s6 =	simm.s32 $0x0;
	s20 =	sshll.u32 s4, $0x1;
	s4 =	sadd.s32 s21, s2  }
0x9d: {  	[timem:s6], [sflag:s22] =	dma.local [hbm:s4], s20  }
0x9e: {  	_ =	swait.ge [sflag:s22], s20  }
0x9f: {  	s3 =	ssub.s32 $0x0, s20;
	[sflag:s22] =	ssyncset.done $0x0  }
0xa0: {  	[sflag:s22] =	ssyncadd.s32 s3;
	_ =	sdelay $0x1  }
0xa1: {  	s23 =	simm.s32 $0x1B8B  }
0xa2: {  	_ =	swait.ge [sflag:s23], $0x1  }
0xa3: {  	[sflag:s23] =	ssyncset.done $0x0  }
0xa4: {  	s25 =	simm.s32 $0x1B8E;
	s24 =	sld [smem:$0x3FFE];
	[sflag:s23] =	ssyncadd.s32 $0xFFFFFFFF  }
0xa5: {  	s26 =	simm.s32 $execute0_lowered;
	[smem:$0x3FD2] =	sst s25  }
0xa6: {  	s4 =	sshll.u32 s26, $0x1;
	_ =	strace $0x80000046;
	[dreg:$0x1] =	wrdreg $0xFFFFFFFF  }
0xa7: {  	s28 =	simm.s32 $_size_execute0_lowered;
	s2 =	sadd.s32 s2, s4;
	[dreg:$0x0] =	wrdreg $0x0  }
0xa8: {  	s4 =	sshll.u32 s28, $0x1;
	[dreg:$0x2] =	wrdreg s2  }
0xa9: {  	[dreg:$0x3] =	wrdreg s4  }
0xaa: {  	[dreg:$0x4] =	wrdreg $0xC0  }
0xab: {  	_ =	task [dreg:s6], $0x5FFFF  }
0xac: {  	[dreg:$0x1] =	wrdreg $0xFFFFFFFF  }
0xad: {  	[dreg:$0x0] =	wrdreg $0x60  }
0xae: {  	[dreg:$0x2] =	wrdreg s24  }
0xaf: {  	[dreg:$0x3] =	wrdreg $0x7A800  }
0xb0: {  	[dreg:$0x4] =	wrdreg $0x9  }
0xb1: {  	_ =	task.clear_ibuf [dreg:s6], $0x5FFFF;
	_ =	strace $0x90000046  }
0xb2: {  	s29 =	simm.s32 $0x9;
	_ =	strace $0x80000048  }
0xb3: {  	_ =	swait.ge [sflag:s29], $0x1  }
0xb4: {  	[sflag:s29] =	ssyncadd.s32 $0xFFFFFFFF  }
0xb5: {  	_ =	strace $0x90000048  }
0xb6: {  	_ =	sfence  }
0xb7: {  	s30 =	sld [smem:$0x0];
	_ =	sdelay $0x2  }
0xb8: {  	s31 =	sshll.u32 s1, $0xD;
	s1 =	sshrl.u32 s1, $0x2  }
0xb9: {  	s3 =	sand.u32 $0x4000, s31;
	s1 =	sadd.s32 s1, s30  }
0xba: {  	s0 =	sor.u32 s3, s0;
	s1 =	sshll.u32 s1, $0x11  }
0xbb: {  	s0 =	sor.u32 s1, s0  }
0xbc: {  	s0 =	sadd.s32 $0x8F2B, s0  }
0xbd: {  	[sflag:s0] =	ssyncadd.remote.s32 $0x1  }
0xbe: {  	_ =	sfence.sel $0xFFFF  }
0xbf: {  	[dreg:$0x0] =	wrdreg $0xFFFFFFFF;
	(pc) =	sbr.abs _section_cstart, $3  }
0xc0: {  	[dreg:$0x1] =	wrdreg $0xFFFFFFFF  }
0xc1: {  	_ =	task.clear_ibuf [dreg:s6], $0x2FFFF;
	_ =	strace $0x9FFFFFFF  }
0xc2: {  	(tm) =	ssettm $0x7FFFFFFF  }
0xc3: {  	_ =	shalt  }
tec
execute0_lowered:
.L_overlay_start_1:
0x0: {  	(tag) =	ssettag $0x1  }
0x1: {  	s0 =	srdreg.scid;
	s4 =	rddreg [dreg:$0x0]  }
0x2: {  	s5 =	rddreg [dreg:$0x1];
	s2 =	simm.s32 $0x0;
	s11 =	simm.s32 $0x400  }
0x3: {  	s12 =	simm.s32 $0x1400;
	s13 =	simm.s32 $0x14000;
	s14 =	simm.s32 $0x5000  }
0x4: {  	s15 =	simm.s32 $0x100;
	s16 =	simm.s32 $0x7800;
	s17 =	simm.s32 $0x0  }
0x5: {  	s3 =	sand.u32 $0x1, s0;
	s0 =	stileid.u32;
	[smem:$0x7FF] =	sst s2  }
0x6: {  	s1 =	sshll.u32 s3, $0x4;
	s7 =	smul.u32 $0x500, s0;
	s8 =	sshll.u32 s3, $0x7  }
0x7: {  	s26 =	sshrl.u32 s0, $0x3;
	s3 =	ssub.s32 $0x2, s3;
	s9 =	smul.u32 $0x5000, s0  }
0x8: {  	s29 =	sshll.u32 s0, $0x7;
	s6 =	sor.u32 s0, s1;
	s1 =	rddreg [dreg:$0x2]  }
0x9: {  	_ =	strace $0x80000047;
	s28 =	sshrl.u32 s3, $0x1;
	s6 =	smul.u32 $0x500, s6  }
0xa: {  	s31 =	sand.u32 $0x380, s29;
	s7 =	sor.u32 s8, s7;
	s8 =	smul.u32 $0x50000, s26  }
0xb: {  	s10 =	ssub.s32 s3, s28;
	s9 =	sshrl.u32 s9, $0x2;
	s7 =	sshrl.u32 s7, $0x3  }
0xc: {  	s6 =	sadd.s32 s6, s4;
	s7 =	sadd.s32 s7, s4;
	s30 =	sshrl.u32 s8, $0x2  }
0xd: {  	s8 =	simm.s32 $0x1;
	s4 =	sadd.s32 s30, s5;
	s3 =	sadd.s32 $0xBA00, s6  }
0xe: {  	s5 =	sadd.s32 s9, s5;
	s6 =	sadd.s32 $0x15A00, s7;
	s7 =	smax.u32 s10, $0x1  }
0xf: {  	v0 =	vimm.f32 $0.0e+00;
	v1 =	vimm.f32 $1.000000000e+00;
	s9 =	simm.s32 $0x2800;
	s10 =	simm.s32 $0x80;
	s4 =	sadd.s32 s31, s4  }
.LBB2_1:
0x10: {  	[tilespmem:s2], [sflag:$0x1] =	stream.linear.gather [hbm4b:s3+s2], $0x2800, $0x38;
	[tilespmem:$0xA280] =	vst v63  }
0x11: {  	_ =	swait.ge [sflag:s8], $0x2800  }
0x12: {  	[sflag:s8] =	ssyncset.done $0x0  }
0x13: {  	s18 =	simm.s32 $0x0;
	[sflag:s8] =	ssyncadd.s32 $0xFFFFD800  }
.LBB2_2:
0x14: {  	p0 =	sne.s32 s18, $0x9FC0  }
.Ltmp0:
0x15: {  	_ = 	snop;
	(pc) =	sbr.rel @p0 .LBB2_2-.Ltmp0, $3  }
0x16: {  	_ =	sdelay $0x1  }
0x17: {  	s19 =	sshra.s32 s18, $0x2  }
0x18: {  	s18 =	sadd.s32 $0x40, s18;
	[tilespmem:s19+$0x2800] =	vst v0  }
0x19: {  	s18 =	simm.s32 $0x0  }
.LBB2_4:
0x1a: {  	s19 =	sshra.s32 s18, $0x2  }
0x1b: {  	v2 =	vld [tilespmem:s19+$0x0];
	_ =	sdelay $0x7  }
0x1c: {  	[tilespmem:v2+s9+$0x0] =	vst.idx.add.f32.msk $0xffff, v1  }
0x1d: {  	v2 =	vld [tilespmem:s19+$0x10];
	_ =	sdelay $0x7  }
0x1e: {  	[tilespmem:v2+s9+$0x0] =	vst.idx.add.f32.msk $0xffff, v1  }
0x1f: {  	v2 =	vld [tilespmem:s19+$0x20];
	_ =	sdelay $0x7  }
0x20: {  	[tilespmem:v2+s9+$0x0] =	vst.idx.add.f32.msk $0xffff, v1  }
0x21: {  	v2 =	vld [tilespmem:s19+$0x30];
	_ =	sdelay $0x7  }
0x22: {  	[tilespmem:v2+s9+$0x0] =	vst.idx.add.f32.msk $0xffff, v1  }
0x23: {  	v2 =	vld [tilespmem:s19+$0x40];
	_ =	sdelay $0x7  }
0x24: {  	[tilespmem:v2+s9+$0x0] =	vst.idx.add.f32.msk $0xffff, v1  }
0x25: {  	v2 =	vld [tilespmem:s19+$0x50];
	_ =	sdelay $0x7  }
0x26: {  	[tilespmem:v2+s9+$0x0] =	vst.idx.add.f32.msk $0xffff, v1  }
0x27: {  	v2 =	vld [tilespmem:s19+$0x60];
	_ =	sdelay $0x7  }
0x28: {  	[tilespmem:v2+s9+$0x0] =	vst.idx.add.f32.msk $0xffff, v1  }
0x29: {  	v2 =	vld [tilespmem:s19+$0x70];
	_ =	sdelay $0x2  }
0x2a: {  	p0 =	sne.s32 s18, $0x9E00  }
.Ltmp1:
0x2b: {  	_ = 	snop;
	(pc) =	sbr.rel @p0 .LBB2_4-.Ltmp1, $2  }
0x2c: {  	_ =	sdelay $0x2  }
0x2d: {  	s18 =	sadd.s32 $0x200, s18;
	[tilespmem:v2+s9+$0x0] =	vst.idx.add.f32.msk $0xffff, v1  }
0x2e: {  	[spmem:s4] =	stream.strided.scatter [tilespmem:s9], [sflag:$0x1], $0x2800, s11, s10, $0x38;
	[tilespmem:$0xA280] =	vst v63  }
0x2f: {  	_ =	swait.ge [sflag:s8], $0x2800  }
0x30: {  	[sflag:s8] =	ssyncset.done $0x0  }
0x31: {  	[sflag:s8] =	ssyncadd.s32 $0xFFFFD800  }
0x32: {  	[bflag:$0x0] =	sbarrier.arrive $0xFFFF  }
0x33: {  	[tilespmem:s14], [sflag:$0x1] =	stream.strided.gather [spmem:s5], $0x2800, s13, s12, $0x38;
	[tilespmem:$0xA280] =	vst v63  }
0x34: {  	s18 =	simm.s32 $0x0;
	_ =	swait.ge [sflag:s8], $0x2800  }
0x35: {  	s19 =	sand.u32 $0x70, s18;
	s18 =	sand.u32 $0x1C00, s18;
	[sflag:s8] =	ssyncset.done $0x0  }
0x36: {  	s18 =	sor.u32 s19, s18;
	[sflag:s8] =	ssyncadd.s32 $0xFFFFD800  }
0x37: {  	v2 =	vld [tilespmem:s18+$0x5080]  }
0x38: {  	v3 =	vld [tilespmem:s18+$0x5000];
	_ =	sdelay $0x1  }
0x39: {  	v4 =	vld [tilespmem:s18+$0x5100];
	_ =	sdelay $0x1  }
0x3a: {  	v5 =	vld [tilespmem:s18+$0x5180]  }
0x3b: {  	v2 =	vadd.f32 v2, v3  }
0x3c: {  	v3 =	vld [tilespmem:s18+$0x5200]  }
0x3d: {  	v2 =	vadd.f32 v4, v2  }
0x3e: {  	v56 =	vld [tilespmem:s18+$0x5280]  }
0x3f: {  	v2 =	vadd.f32 v5, v2  }
0x40: {  	v57 =	vld [tilespmem:s18+$0x5300]  }
0x41: {  	v2 =	vadd.f32 v3, v2  }
0x42: {  	v3 =	vld [tilespmem:s18+$0x5380]  }
0x43: {  	v2 =	vadd.f32 v56, v2  }
0x44: {  	v58 =	vld [tilespmem:s18+$0x6400]  }
0x45: {  	v2 =	vadd.f32 v57, v2  }
0x46: {  	v59 =	vld [tilespmem:s18+$0x6480]  }
0x47: {  	v2 =	vadd.f32 v3, v2  }
0x48: {  	v3 =	vld [tilespmem:s18+$0x6500]  }
0x49: {  	v2 =	vadd.f32 v58, v2  }
0x4a: {  	v60 =	vld [tilespmem:s18+$0x6580]  }
0x4b: {  	v2 =	vadd.f32 v59, v2  }
0x4c: {  	v61 =	vld [tilespmem:s18+$0x6600]  }
0x4d: {  	v2 =	vadd.f32 v3, v2  }
0x4e: {  	v3 =	vld [tilespmem:s18+$0x6680]  }
0x4f: {  	v2 =	vadd.f32 v60, v2  }
0x50: {  	v62 =	vld [tilespmem:s18+$0x6700]  }
0x51: {  	v2 =	vadd.f32 v61, v2  }
0x52: {  	v63 =	vld [tilespmem:s18+$0x6780]  }
0x53: {  	v2 =	vadd.f32 v3, v2;
	_ =	sdelay $0x1  }
0x54: {  	v2 =	vadd.f32 v62, v2;
	_ =	sdelay $0x1  }
0x55: {  	s31 =	simm.s32 $0x10;
	s20 =	simm.s32 $0x80;
	v2 =	vadd.f32 v63, v2  }
0x56: {  	s21 =	sand.u32 $0x1C00, s20;
	s19 =	sand.u32 $0x70, s31;
	s18 =	simm.s32 $0x7800  }
0x57: {  	s19 =	sor.u32 s19, s21;
	s21 =	simm.s32 $0x20;
	[tilespmem:s18+$0x0] =	vst v2  }
.LBB2_6:
0x58: {  	p0 =	sne.s32 s21, $0x270;
	v2 =	vld [tilespmem:s19+$0x5080]  }
0x59: {  	v3 =	vld [tilespmem:s19+$0x5000];
	_ =	sdelay $0x1  }
0x5a: {  	v4 =	vld [tilespmem:s19+$0x5100];
	_ =	sdelay $0x1  }
0x5b: {  	v5 =	vld [tilespmem:s19+$0x5180]  }
0x5c: {  	v2 =	vadd.f32 v2, v3  }
0x5d: {  	v3 =	vld [tilespmem:s19+$0x5200]  }
0x5e: {  	v2 =	vadd.f32 v4, v2  }
0x5f: {  	v4 =	vld [tilespmem:s19+$0x5280]  }
0x60: {  	v2 =	vadd.f32 v5, v2  }
0x61: {  	v5 =	vld [tilespmem:s19+$0x5300]  }
0x62: {  	v2 =	vadd.f32 v3, v2  }
0x63: {  	v3 =	vld [tilespmem:s19+$0x5380]  }
0x64: {  	v2 =	vadd.f32 v4, v2  }
0x65: {  	v4 =	vld [tilespmem:s19+$0x6400]  }
0x66: {  	v2 =	vadd.f32 v5, v2  }
0x67: {  	v5 =	vld [tilespmem:s19+$0x6480]  }
0x68: {  	v2 =	vadd.f32 v3, v2  }
0x69: {  	v3 =	vld [tilespmem:s19+$0x6500]  }
0x6a: {  	v2 =	vadd.f32 v4, v2  }
0x6b: {  	v4 =	vld [tilespmem:s19+$0x6580]  }
0x6c: {  	v2 =	vadd.f32 v5, v2  }
0x6d: {  	v5 =	vld [tilespmem:s19+$0x6600]  }
0x6e: {  	v2 =	vadd.f32 v3, v2  }
0x6f: {  	v3 =	vld [tilespmem:s19+$0x6680]  }
0x70: {  	v2 =	vadd.f32 v4, v2  }
0x71: {  	v4 =	vld [tilespmem:s19+$0x6700]  }
0x72: {  	v2 =	vadd.f32 v5, v2  }
0x73: {  	v5 =	vld [tilespmem:s19+$0x6780]  }
0x74: {  	v2 =	vadd.f32 v3, v2;
	_ =	sdelay $0x1  }
.Ltmp2:
0x75: {  	v2 =	vadd.f32 v4, v2;
	(pc) =	sbr.rel @p0 .LBB2_6-.Ltmp2, $4  }
0x76: {  	_ = 	snop  }
0x77: {  	s20 =	sadd.s32 $0x80, s20;
	v2 =	vadd.f32 v5, v2  }
0x78: {  	s18 =	sadd.s32 $0x10, s18;
	s22 =	sand.u32 $0x1C00, s20;
	s19 =	sand.u32 $0x70, s21  }
0x79: {  	s21 =	sadd.s32 $0x10, s21;
	s19 =	sor.u32 s19, s22;
	[tilespmem:s18+$0x0] =	vst v2  }
0x7a: {  	v2 =	vld [tilespmem:s19+$0x5080]  }
0x7b: {  	v3 =	vld [tilespmem:s19+$0x5000];
	_ =	sdelay $0x1  }
0x7c: {  	v4 =	vld [tilespmem:s19+$0x5100];
	_ =	sdelay $0x1  }
0x7d: {  	v5 =	vld [tilespmem:s19+$0x5180]  }
0x7e: {  	v2 =	vadd.f32 v2, v3  }
0x7f: {  	v3 =	vld [tilespmem:s19+$0x5200]  }
0x80: {  	v2 =	vadd.f32 v4, v2  }
0x81: {  	v56 =	vld [tilespmem:s19+$0x5280]  }
0x82: {  	v2 =	vadd.f32 v5, v2  }
0x83: {  	v57 =	vld [tilespmem:s19+$0x5300]  }
0x84: {  	v2 =	vadd.f32 v3, v2  }
0x85: {  	v3 =	vld [tilespmem:s19+$0x5380]  }
0x86: {  	v2 =	vadd.f32 v56, v2  }
0x87: {  	v58 =	vld [tilespmem:s19+$0x6400]  }
0x88: {  	v2 =	vadd.f32 v57, v2  }
0x89: {  	v59 =	vld [tilespmem:s19+$0x6480]  }
0x8a: {  	v2 =	vadd.f32 v3, v2  }
0x8b: {  	v3 =	vld [tilespmem:s19+$0x6500]  }
0x8c: {  	v2 =	vadd.f32 v58, v2  }
0x8d: {  	v60 =	vld [tilespmem:s19+$0x6580]  }
0x8e: {  	v2 =	vadd.f32 v59, v2  }
0x8f: {  	v61 =	vld [tilespmem:s19+$0x6600]  }
0x90: {  	v2 =	vadd.f32 v3, v2  }
0x91: {  	v3 =	vld [tilespmem:s19+$0x6680]  }
0x92: {  	v2 =	vadd.f32 v60, v2  }
0x93: {  	v62 =	vld [tilespmem:s19+$0x6700]  }
0x94: {  	v2 =	vadd.f32 v61, v2  }
0x95: {  	v63 =	vld [tilespmem:s19+$0x6780]  }
0x96: {  	v2 =	vadd.f32 v3, v2;
	_ =	sdelay $0x1  }
0x97: {  	v2 =	vadd.f32 v62, v2;
	_ =	sdelay $0x1  }
0x98: {  	s17 =	sadd.s32 $0x1, s17;
	v2 =	vadd.f32 v63, v2  }
0x99: {  	s18 =	sadd.s32 $0x10, s18;
	p0 =	sne.s32 s17, s7  }
.Ltmp3:
0x9a: {  	[tilespmem:s18+$0x0] =	vst v2;
	(pc) =	sbr.rel @p0 .LBB2_1-.Ltmp3, $4  }
0x9b: {  	[hbm4b:s6+s10] =	stream.strided.scatter [tilespmem:s16], [sflag:$0x1], $0x280, s15, s10, $0x38;
	[tilespmem:$0xA280] =	vst v63  }
0x9c: {  	_ =	swait.ge [sflag:s8], $0x280  }
0x9d: {  	[sflag:s8] =	ssyncset.done $0x0  }
0x9e: {  	[sflag:s8] =	ssyncadd.s32 $0xFFFFFD80  }
0x9f: {  	_ =	sfence.sel $0x180000  }
0xa0: {  	[bflag:$0x0] =	sbarrier.arrive $0xFFFF  }
0xa1: {  	p0 =	sne.s32 s0, $0x0;
	_ =	strace $0x90000047  }
0xa2: {  	s0 =	sadd.s32 @!p0 $0x100000, s1;
	[bflag:$0x2] =	sbarrier.arrive $0xFFFF  }
0xa3: {  	[sflag:s0] =	ssyncadd.tile.s32 @!p0 $0x1;
	_ =	shalt  }
.Lfunc_end2:
_tile_overlayer_lowered:
.L_overlay_start_2:
0xa4: {  	(tag) =	ssettag $0x2  }
0xa5: {  	s0 =	rddreg [dreg:$0x0];
	s2 =	stileid.u32  }
0xa6: {  	s1 =	rddreg [dreg:$0x1];
	p0 =	sne.s32 s2, $0x0  }
0xa7: {  	s3 =	rddreg [dreg:$0x2];
	[bflag:$0x3] =	sbarrier.arrive $0xFFFF;
	s2 =	simm.s32 @!p0 $0x1C01  }
0xa8: {  	[timem:s3], [sflag:s2] =	dma.local @!p0 [hbm:s0], s1  }
0xa9: {  	s0 =	simm.s32 @!p0 $0x1  }
0xaa: {  	_ =	swait.ge @!p0 [sflag:s0], s1  }
0xab: {  	s1 =	ssub.s32 @!p0 $0x0, s1;
	[sflag:s0] =	ssyncset.done @!p0 $0x0  }
0xac: {  	[sflag:s0] =	ssyncadd.s32 @!p0 s1  }
0xad: {  	[bflag:$0x3] =	sbarrier.arrive $0xFFFF  }
0xae: {  	_ =	shalt  }

</sc_bundles>
